<compile_context>
chip_gen: v7x
topology: tpu7x:2x2x1
jax: 0.10.2.dev20260603
libtpu: 0.0.44.dev20260713+nightly
codegen_flags: <defaults>
</compile_context>

<pallas_src>
import functools

import jax
import jax.numpy as jnp
from jax import lax
from jax.experimental import pallas as pl
from jax.experimental.pallas import tpu as pltpu
from jax.experimental.pallas import tpu_sc as plsc

DIM = 128
MAX_LEN = 2048
N_POS = 819200

_NC = 2
_NS = 16
_NW = _NC * _NS

_B_PER_W = N_POS // _NW
_G = 128
_NG = _B_PER_W // _G

_NBUF = 5
_LEAD = 2


def _make_sc_gather():
    mesh = plsc.VectorSubcoreMesh(core_axis_name="c", subcore_axis_name="s")

    @functools.partial(
        pl.kernel,
        mesh=mesh,
        out_type=jax.ShapeDtypeStruct((N_POS, DIM), jnp.float32),
        scratch_types=[
            pltpu.VMEM((_NG, _G), jnp.int32),
            pltpu.VMEM((_NBUF, _G, DIM), jnp.float32),
            pltpu.VMEM_SHARED((MAX_LEN, DIM), jnp.float32),
            [pltpu.SemaphoreType.DMA] * _NBUF,
            [pltpu.SemaphoreType.DMA] * _NBUF,
        ],
    )
    def body(table_hbm, pos_hbm, out_hbm, idx_v, rows_v, table_sp, gsems, ssems):
        wid = lax.axis_index("s") * _NC + lax.axis_index("c")
        base = wid * _B_PER_W

        sid = lax.axis_index("s")
        rows_per_tile = MAX_LEN // _NS
        pltpu.sync_copy(
            table_hbm.at[pl.ds(sid * rows_per_tile, rows_per_tile)],
            table_sp.at[pl.ds(sid * rows_per_tile, rows_per_tile)],
        )
        pltpu.sync_copy(pos_hbm.at[pl.ds(wid * _NG, _NG)], idx_v)
        plsc.subcore_barrier()

        def g_copy(j, b):
            return pltpu.make_async_copy(
                table_sp.at[idx_v.at[j]], rows_v.at[b], gsems[b]
            )

        def s_copy(j, b):
            return pltpu.make_async_copy(
                rows_v.at[b], out_hbm.at[pl.ds(base + j * _G, _G)], ssems[b]
            )

        for j in range(_NBUF):
            g_copy(j, j).start()
            if j >= _LEAD:
                c = j - _LEAD
                g_copy(c, c).wait()
                s_copy(c, c).start()

        def step(i, carry):
            j0 = _NBUF + i * _NBUF
            for k in range(_NBUF):
                j = j0 + k
                bl = (k - _LEAD) % _NBUF
                s_copy(j - _NBUF, k).wait()
                g_copy(j, k).start()
                g_copy(j - _LEAD, bl).wait()
                s_copy(j - _LEAD, bl).start()
            return carry

        lax.fori_loop(0, (_NG - _NBUF) // _NBUF, step, 0)

        for t in range(_LEAD):
            j = _NG + t
            bl = (j - _LEAD) % _NBUF
            s_copy(j - _NBUF, j % _NBUF).wait()
            g_copy(j - _LEAD, bl).wait()
            s_copy(j - _LEAD, bl).start()

        for c in range(_NG + _LEAD - _NBUF, _NG):
            s_copy(c, c % _NBUF).wait()

    return body


_sc_gather = _make_sc_gather()


def kernel(pe, pos):
    table = pe.reshape(MAX_LEN, DIM)
    pos2 = pos.reshape(N_POS // _G, _G)
    return _sc_gather(table, pos2)

# --- scband reference (transcript-rebuilt; emitter-appended) ---
"""Pipeline reference for scband-slot-encoding-48893907697762 (READ-ONLY COPY).

The authoritative reference and input builder live on the scoring server;
editing this copy changes nothing except your own understanding.
"""

import jax, jax.numpy as jnp
import numpy as np

DIM_MODEL = 128
MAX_LEN = 2048
N_POS = 819200


def _build_pe():
    pe = np.zeros((MAX_LEN, DIM_MODEL), dtype=np.float32)
    position = np.arange(0, MAX_LEN, dtype=np.float32)[:, None]
    div_term = np.exp(np.arange(0, DIM_MODEL, 2, dtype=np.float32) * -(np.log(10000.0) / DIM_MODEL))
    pe[:, 0::2] = np.sin(position * div_term)
    pe[:, 1::2] = np.cos(position * div_term)
    return jnp.asarray(pe)[None, :, :]  # [1, max_len, dim_model]


def setup_inputs(seed: int = 0) -> dict:
    key = jax.random.key(seed)
    pos = jax.random.randint(key, (N_POS,), 0, MAX_LEN, dtype=jnp.int32)
    pe = _build_pe()
    return {"pe": pe, "pos": pos}


def reference(pe, pos):
    # torch.index_select(self.pe, 1, pos).squeeze(0)
    out = jnp.take(pe, pos, axis=1)  # [1, N_POS, dim_model]
    return jnp.squeeze(out, axis=0)  # [N_POS, dim_model]

if __name__ == "__main__":
    import jax
    _d = setup_inputs()
    print(jax.jit(kernel)(*tuple(_d.values())))

</pallas_src>

<mosaic_0001>
#map = affine_map<(d0, d1) -> (0, 0)>
module attributes {stable_mosaic.version = 14 : i64} {
  func.func @body(%arg0: i32, %arg1: i32, %arg2: memref<2048x128xf32, #tpu.memory_space<hbm>>, %arg3: memref<6400x128xi32, #tpu.memory_space<hbm>>, %arg4: memref<819200x128xf32, #tpu.memory_space<hbm>>, %arg5: memref<200x128xi32, #tpu.memory_space<vmem>>, %arg6: memref<5x128x128xf32, #tpu.memory_space<vmem>>, %arg7: memref<2048x128xf32, #tpu.memory_space<vmem_shared>>, %arg8: memref<!tpu.dma_semaphore, #tpu.memory_space<semaphore_mem>>, %arg9: memref<!tpu.dma_semaphore, #tpu.memory_space<semaphore_mem>>, %arg10: memref<!tpu.dma_semaphore, #tpu.memory_space<semaphore_mem>>, %arg11: memref<!tpu.dma_semaphore, #tpu.memory_space<semaphore_mem>>, %arg12: memref<!tpu.dma_semaphore, #tpu.memory_space<semaphore_mem>>, %arg13: memref<!tpu.dma_semaphore, #tpu.memory_space<semaphore_mem>>, %arg14: memref<!tpu.dma_semaphore, #tpu.memory_space<semaphore_mem>>, %arg15: memref<!tpu.dma_semaphore, #tpu.memory_space<semaphore_mem>>, %arg16: memref<!tpu.dma_semaphore, #tpu.memory_space<semaphore_mem>>, %arg17: memref<!tpu.dma_semaphore, #tpu.memory_space<semaphore_mem>>) attributes {dimension_semantics = [#tpu.dimension_semantics<core_parallel>, #tpu.dimension_semantics<subcore_parallel>], iteration_bounds = array<i64: 2, 16>, scalar_prefetch = 0 : i64, scratch_operands = 13 : i64, tpu.core_type = #tpu.core_type<sc_vector_subcore>, window_params = [{transform_indices = #map}, {transform_indices = #map}, {transform_indices = #map}]} {
    %mul3A = arith.constant 2 : i32
    %mul3A_0 = arith.muli %arg1, %mul3A : i32
    %add3A = arith.addi %mul3A_0, %arg0 : i32
    %mul3A_1 = arith.constant 25600 : i32
    %mul3A_2 = arith.muli %add3A, %mul3A_1 : i32
    %mul3A_3 = arith.constant 128 : i32
    %mul3A_4 = arith.muli %arg1, %mul3A_3 : i32
    %mul3A_5 = arith.constant 128 : i32
    %mul3A_6 = arith.muli %arg1, %mul3A_5 : i32
    "tpu.region"() ({
      %run_scoped3A = tpu.sem_alloc : memref<!tpu.dma_semaphore, #tpu.memory_space<semaphore_mem>>
      %dma_start3A_282 = arith.constant 0 : i32
      %dma_start3A_283 = tpu.memref_slice %arg7[%mul3A_6, %dma_start3A_282] : memref<2048x128xf32, #tpu.memory_space<vmem_shared>> -> memref<128x128xf32, #tpu.memory_space<vmem_shared>>
      %dma_start3A_284 = arith.constant 0 : i32
      %dma_start3A_285 = tpu.memref_slice %arg2[%mul3A_4, %dma_start3A_284] : memref<2048x128xf32, #tpu.memory_space<hbm>> -> memref<128x128xf32, #tpu.memory_space<hbm>>
      tpu.enqueue_dma source(%dma_start3A_285 : memref<128x128xf32, #tpu.memory_space<hbm>>) target(%dma_start3A_283 : memref<128x128xf32, #tpu.memory_space<vmem_shared>>) target_semaphore(%run_scoped3A : memref<!tpu.dma_semaphore, #tpu.memory_space<semaphore_mem>>)
      %dma_wait3A_286 = arith.constant 0 : i32
      %dma_wait3A_287 = tpu.memref_slice %arg7[%mul3A_6, %dma_wait3A_286] : memref<2048x128xf32, #tpu.memory_space<vmem_shared>> -> memref<128x128xf32, #tpu.memory_space<vmem_shared>>
      %dma_wait3A_288 = arith.constant 0 : i32
      %dma_wait3A_289 = tpu.memref_slice %arg2[%mul3A_4, %dma_wait3A_288] : memref<2048x128xf32, #tpu.memory_space<hbm>> -> memref<128x128xf32, #tpu.memory_space<hbm>>
      tpu.wait_dma2 semaphore(%run_scoped3A : memref<!tpu.dma_semaphore, #tpu.memory_space<semaphore_mem>>) src(%dma_wait3A_289 : memref<128x128xf32, #tpu.memory_space<hbm>>) dst(%dma_wait3A_287 : memref<128x128xf32, #tpu.memory_space<vmem_shared>>)
      tpu.yield
    }) : () -> ()
    %mul3A_7 = arith.constant 200 : i32
    %mul3A_8 = arith.muli %add3A, %mul3A_7 : i32
    "tpu.region"() ({
      %run_scoped3A = tpu.sem_alloc : memref<!tpu.dma_semaphore, #tpu.memory_space<semaphore_mem>>
      %dma_start3A_282 = arith.constant 0 : i32
      %dma_start3A_283 = tpu.memref_slice %arg3[%mul3A_8, %dma_start3A_282] : memref<6400x128xi32, #tpu.memory_space<hbm>> -> memref<200x128xi32, #tpu.memory_space<hbm>>
      %dma_start3A_284 = arith.constant 0 : i32
      %dma_start3A_285 = tpu.memref_slice %arg3[%mul3A_8, %dma_start3A_284] : memref<6400x128xi32, #tpu.memory_space<hbm>> -> memref<200x128xi32, #tpu.memory_space<hbm>>
      tpu.enqueue_dma source(%dma_start3A_285 : memref<200x128xi32, #tpu.memory_space<hbm>>) target(%arg5 : memref<200x128xi32, #tpu.memory_space<vmem>>) target_semaphore(%run_scoped3A : memref<!tpu.dma_semaphore, #tpu.memory_space<semaphore_mem>>)
      %dma_wait3A_286 = arith.constant 0 : i32
      %dma_wait3A_287 = tpu.memref_slice %arg3[%mul3A_8, %dma_wait3A_286] : memref<6400x128xi32, #tpu.memory_space<hbm>> -> memref<200x128xi32, #tpu.memory_space<hbm>>
      %dma_wait3A_288 = arith.constant 0 : i32
      %dma_wait3A_289 = tpu.memref_slice %arg3[%mul3A_8, %dma_wait3A_288] : memref<6400x128xi32, #tpu.memory_space<hbm>> -> memref<200x128xi32, #tpu.memory_space<hbm>>
      tpu.wait_dma2 semaphore(%run_scoped3A : memref<!tpu.dma_semaphore, #tpu.memory_space<semaphore_mem>>) src(%dma_wait3A_289 : memref<200x128xi32, #tpu.memory_space<hbm>>) dst(%arg5 : memref<200x128xi32, #tpu.memory_space<vmem>>)
      tpu.yield
    }) : () -> ()
    %barrier3A = arith.constant 0 : index
    tpu.barrier barrier_id(%barrier3A)
    %dma_start3A = arith.constant 0 : i32
    %dma_start3A_9 = arith.constant 0 : i32
    %dma_start3A_10 = arith.constant 0 : i32
    %dma_start3A_11 = arith.constant 0 : i32
    %dma_start3A_12 = tpu.memref_slice %arg6[%dma_start3A_9, %dma_start3A_10, %dma_start3A_11] : memref<5x128x128xf32, #tpu.memory_space<vmem>> -> memref<1x128x128xf32, #tpu.memory_space<vmem>>
    %dma_start3A_13 = tpu.memref_squeeze %dma_start3A_12 : memref<1x128x128xf32, #tpu.memory_space<vmem>> -> memref<128x128xf32, #tpu.memory_space<vmem>>
    %dma_start3A_14 = arith.constant 0 : i32
    %dma_start3A_15 = tpu.memref_slice %arg5[%dma_start3A, %dma_start3A_14] : memref<200x128xi32, #tpu.memory_space<vmem>> -> memref<1x128xi32, #tpu.memory_space<vmem>>
    %dma_start3A_16 = tpu.memref_squeeze %dma_start3A_15 : memref<1x128xi32, #tpu.memory_space<vmem>> -> memref<128xi32, #tpu.memory_space<vmem>>
    %dma_start3A_17 = arith.constant 0 : i32
    %dma_start3A_18 = arith.constant 0 : i32
    %dma_start3A_19 = tpu.memref_slice %arg7[%dma_start3A_17, %dma_start3A_18] : memref<2048x128xf32, #tpu.memory_space<vmem_shared>> -> memref<2048x128xf32, #tpu.memory_space<vmem_shared>>
    tpu.enqueue_indirect_dma source(%dma_start3A_19 : memref<2048x128xf32, #tpu.memory_space<vmem_shared>>) target(%dma_start3A_13 : memref<128x128xf32, #tpu.memory_space<vmem>>) offsets(%dma_start3A_16 : memref<128xi32, #tpu.memory_space<vmem>>) semaphore(%arg8 : memref<!tpu.dma_semaphore, #tpu.memory_space<semaphore_mem>>)
    %dma_start3A_20 = arith.constant 1 : i32
    %dma_start3A_21 = arith.constant 1 : i32
    %dma_start3A_22 = arith.constant 0 : i32
    %dma_start3A_23 = arith.constant 0 : i32
    %dma_start3A_24 = tpu.memref_slice %arg6[%dma_start3A_21, %dma_start3A_22, %dma_start3A_23] : memref<5x128x128xf32, #tpu.memory_space<vmem>> -> memref<1x128x128xf32, #tpu.memory_space<vmem>>
    %dma_start3A_25 = tpu.memref_squeeze %dma_start3A_24 : memref<1x128x128xf32, #tpu.memory_space<vmem>> -> memref<128x128xf32, #tpu.memory_space<vmem>>
    %dma_start3A_26 = arith.constant 0 : i32
    %dma_start3A_27 = tpu.memref_slice %arg5[%dma_start3A_20, %dma_start3A_26] : memref<200x128xi32, #tpu.memory_space<vmem>> -> memref<1x128xi32, #tpu.memory_space<vmem>>
    %dma_start3A_28 = tpu.memref_squeeze %dma_start3A_27 : memref<1x128xi32, #tpu.memory_space<vmem>> -> memref<128xi32, #tpu.memory_space<vmem>>
    %dma_start3A_29 = arith.constant 0 : i32
    %dma_start3A_30 = arith.constant 0 : i32
    %dma_start3A_31 = tpu.memref_slice %arg7[%dma_start3A_29, %dma_start3A_30] : memref<2048x128xf32, #tpu.memory_space<vmem_shared>> -> memref<2048x128xf32, #tpu.memory_space<vmem_shared>>
    tpu.enqueue_indirect_dma source(%dma_start3A_31 : memref<2048x128xf32, #tpu.memory_space<vmem_shared>>) target(%dma_start3A_25 : memref<128x128xf32, #tpu.memory_space<vmem>>) offsets(%dma_start3A_28 : memref<128xi32, #tpu.memory_space<vmem>>) semaphore(%arg9 : memref<!tpu.dma_semaphore, #tpu.memory_space<semaphore_mem>>)
    %dma_start3A_32 = arith.constant 2 : i32
    %dma_start3A_33 = arith.constant 2 : i32
    %dma_start3A_34 = arith.constant 0 : i32
    %dma_start3A_35 = arith.constant 0 : i32
    %dma_start3A_36 = tpu.memref_slice %arg6[%dma_start3A_33, %dma_start3A_34, %dma_start3A_35] : memref<5x128x128xf32, #tpu.memory_space<vmem>> -> memref<1x128x128xf32, #tpu.memory_space<vmem>>
    %dma_start3A_37 = tpu.memref_squeeze %dma_start3A_36 : memref<1x128x128xf32, #tpu.memory_space<vmem>> -> memref<128x128xf32, #tpu.memory_space<vmem>>
    %dma_start3A_38 = arith.constant 0 : i32
    %dma_start3A_39 = tpu.memref_slice %arg5[%dma_start3A_32, %dma_start3A_38] : memref<200x128xi32, #tpu.memory_space<vmem>> -> memref<1x128xi32, #tpu.memory_space<vmem>>
    %dma_start3A_40 = tpu.memref_squeeze %dma_start3A_39 : memref<1x128xi32, #tpu.memory_space<vmem>> -> memref<128xi32, #tpu.memory_space<vmem>>
    %dma_start3A_41 = arith.constant 0 : i32
    %dma_start3A_42 = arith.constant 0 : i32
    %dma_start3A_43 = tpu.memref_slice %arg7[%dma_start3A_41, %dma_start3A_42] : memref<2048x128xf32, #tpu.memory_space<vmem_shared>> -> memref<2048x128xf32, #tpu.memory_space<vmem_shared>>
    tpu.enqueue_indirect_dma source(%dma_start3A_43 : memref<2048x128xf32, #tpu.memory_space<vmem_shared>>) target(%dma_start3A_37 : memref<128x128xf32, #tpu.memory_space<vmem>>) offsets(%dma_start3A_40 : memref<128xi32, #tpu.memory_space<vmem>>) semaphore(%arg10 : memref<!tpu.dma_semaphore, #tpu.memory_space<semaphore_mem>>)
    %dma_wait3A = arith.constant 0 : i32
    %dma_wait3A_44 = arith.constant 0 : i32
    %dma_wait3A_45 = arith.constant 0 : i32
    %dma_wait3A_46 = arith.constant 0 : i32
    %dma_wait3A_47 = tpu.memref_slice %arg6[%dma_wait3A_44, %dma_wait3A_45, %dma_wait3A_46] : memref<5x128x128xf32, #tpu.memory_space<vmem>> -> memref<1x128x128xf32, #tpu.memory_space<vmem>>
    %dma_wait3A_48 = tpu.memref_squeeze %dma_wait3A_47 : memref<1x128x128xf32, #tpu.memory_space<vmem>> -> memref<128x128xf32, #tpu.memory_space<vmem>>
    %dma_wait3A_49 = arith.constant 0 : i32
    %dma_wait3A_50 = tpu.memref_slice %arg5[%dma_wait3A, %dma_wait3A_49] : memref<200x128xi32, #tpu.memory_space<vmem>> -> memref<1x128xi32, #tpu.memory_space<vmem>>
    %dma_wait3A_51 = tpu.memref_squeeze %dma_wait3A_50 : memref<1x128xi32, #tpu.memory_space<vmem>> -> memref<128xi32, #tpu.memory_space<vmem>>
    %dma_wait3A_52 = arith.constant 0 : i32
    %dma_wait3A_53 = arith.constant 0 : i32
    %dma_wait3A_54 = tpu.memref_slice %arg7[%dma_wait3A_52, %dma_wait3A_53] : memref<2048x128xf32, #tpu.memory_space<vmem_shared>> -> memref<2048x128xf32, #tpu.memory_space<vmem_shared>>
    tpu.wait_indirect_dma semaphore(%arg8 : memref<!tpu.dma_semaphore, #tpu.memory_space<semaphore_mem>>) src(%dma_wait3A_54 : memref<2048x128xf32, #tpu.memory_space<vmem_shared>>) dst(%dma_wait3A_48 : memref<128x128xf32, #tpu.memory_space<vmem>>)
    %add3A_55 = arith.constant 0 : i32
    %add3A_56 = arith.addi %mul3A_2, %add3A_55 : i32
    %dma_start3A_57 = arith.constant 0 : i32
    %dma_start3A_58 = arith.constant 0 : i32
    %dma_start3A_59 = arith.constant 0 : i32
    %dma_start3A_60 = tpu.memref_slice %arg6[%dma_start3A_57, %dma_start3A_58, %dma_start3A_59] : memref<5x128x128xf32, #tpu.memory_space<vmem>> -> memref<1x128x128xf32, #tpu.memory_space<vmem>>
    %dma_start3A_61 = tpu.memref_squeeze %dma_start3A_60 : memref<1x128x128xf32, #tpu.memory_space<vmem>> -> memref<128x128xf32, #tpu.memory_space<vmem>>
    %dma_start3A_62 = arith.constant 0 : i32
    %dma_start3A_63 = tpu.memref_slice %arg4[%add3A_56, %dma_start3A_62] : memref<819200x128xf32, #tpu.memory_space<hbm>> -> memref<128x128xf32, #tpu.memory_space<hbm>>
    %dma_start3A_64 = arith.constant 0 : i32
    %dma_start3A_65 = tpu.memref_slice %arg4[%add3A_56, %dma_start3A_64] : memref<819200x128xf32, #tpu.memory_space<hbm>> -> memref<128x128xf32, #tpu.memory_space<hbm>>
    %dma_start3A_66 = arith.constant 0 : i32
    %dma_start3A_67 = arith.constant 0 : i32
    %dma_start3A_68 = tpu.memref_slice %arg6[%dma_start3A_57, %dma_start3A_66, %dma_start3A_67] : memref<5x128x128xf32, #tpu.memory_space<vmem>> -> memref<1x128x128xf32, #tpu.memory_space<vmem>>
    %dma_start3A_69 = tpu.memref_squeeze %dma_start3A_68 : memref<1x128x128xf32, #tpu.memory_space<vmem>> -> memref<128x128xf32, #tpu.memory_space<vmem>>
    tpu.enqueue_dma source(%dma_start3A_69 : memref<128x128xf32, #tpu.memory_space<vmem>>) target(%dma_start3A_65 : memref<128x128xf32, #tpu.memory_space<hbm>>) target_semaphore(%arg13 : memref<!tpu.dma_semaphore, #tpu.memory_space<semaphore_mem>>)
    %dma_start3A_70 = arith.constant 3 : i32
    %dma_start3A_71 = arith.constant 3 : i32
    %dma_start3A_72 = arith.constant 0 : i32
    %dma_start3A_73 = arith.constant 0 : i32
    %dma_start3A_74 = tpu.memref_slice %arg6[%dma_start3A_71, %dma_start3A_72, %dma_start3A_73] : memref<5x128x128xf32, #tpu.memory_space<vmem>> -> memref<1x128x128xf32, #tpu.memory_space<vmem>>
    %dma_start3A_75 = tpu.memref_squeeze %dma_start3A_74 : memref<1x128x128xf32, #tpu.memory_space<vmem>> -> memref<128x128xf32, #tpu.memory_space<vmem>>
    %dma_start3A_76 = arith.constant 0 : i32
    %dma_start3A_77 = tpu.memref_slice %arg5[%dma_start3A_70, %dma_start3A_76] : memref<200x128xi32, #tpu.memory_space<vmem>> -> memref<1x128xi32, #tpu.memory_space<vmem>>
    %dma_start3A_78 = tpu.memref_squeeze %dma_start3A_77 : memref<1x128xi32, #tpu.memory_space<vmem>> -> memref<128xi32, #tpu.memory_space<vmem>>
    %dma_start3A_79 = arith.constant 0 : i32
    %dma_start3A_80 = arith.constant 0 : i32
    %dma_start3A_81 = tpu.memref_slice %arg7[%dma_start3A_79, %dma_start3A_80] : memref<2048x128xf32, #tpu.memory_space<vmem_shared>> -> memref<2048x128xf32, #tpu.memory_space<vmem_shared>>
    tpu.enqueue_indirect_dma source(%dma_start3A_81 : memref<2048x128xf32, #tpu.memory_space<vmem_shared>>) target(%dma_start3A_75 : memref<128x128xf32, #tpu.memory_space<vmem>>) offsets(%dma_start3A_78 : memref<128xi32, #tpu.memory_space<vmem>>) semaphore(%arg11 : memref<!tpu.dma_semaphore, #tpu.memory_space<semaphore_mem>>)
    %dma_wait3A_82 = arith.constant 1 : i32
    %dma_wait3A_83 = arith.constant 1 : i32
    %dma_wait3A_84 = arith.constant 0 : i32
    %dma_wait3A_85 = arith.constant 0 : i32
    %dma_wait3A_86 = tpu.memref_slice %arg6[%dma_wait3A_83, %dma_wait3A_84, %dma_wait3A_85] : memref<5x128x128xf32, #tpu.memory_space<vmem>> -> memref<1x128x128xf32, #tpu.memory_space<vmem>>
    %dma_wait3A_87 = tpu.memref_squeeze %dma_wait3A_86 : memref<1x128x128xf32, #tpu.memory_space<vmem>> -> memref<128x128xf32, #tpu.memory_space<vmem>>
    %dma_wait3A_88 = arith.constant 0 : i32
    %dma_wait3A_89 = tpu.memref_slice %arg5[%dma_wait3A_82, %dma_wait3A_88] : memref<200x128xi32, #tpu.memory_space<vmem>> -> memref<1x128xi32, #tpu.memory_space<vmem>>
    %dma_wait3A_90 = tpu.memref_squeeze %dma_wait3A_89 : memref<1x128xi32, #tpu.memory_space<vmem>> -> memref<128xi32, #tpu.memory_space<vmem>>
    %dma_wait3A_91 = arith.constant 0 : i32
    %dma_wait3A_92 = arith.constant 0 : i32
    %dma_wait3A_93 = tpu.memref_slice %arg7[%dma_wait3A_91, %dma_wait3A_92] : memref<2048x128xf32, #tpu.memory_space<vmem_shared>> -> memref<2048x128xf32, #tpu.memory_space<vmem_shared>>
    tpu.wait_indirect_dma semaphore(%arg9 : memref<!tpu.dma_semaphore, #tpu.memory_space<semaphore_mem>>) src(%dma_wait3A_93 : memref<2048x128xf32, #tpu.memory_space<vmem_shared>>) dst(%dma_wait3A_87 : memref<128x128xf32, #tpu.memory_space<vmem>>)
    %add3A_94 = arith.constant 128 : i32
    %add3A_95 = arith.addi %mul3A_2, %add3A_94 : i32
    %dma_start3A_96 = arith.constant 1 : i32
    %dma_start3A_97 = arith.constant 0 : i32
    %dma_start3A_98 = arith.constant 0 : i32
    %dma_start3A_99 = tpu.memref_slice %arg6[%dma_start3A_96, %dma_start3A_97, %dma_start3A_98] : memref<5x128x128xf32, #tpu.memory_space<vmem>> -> memref<1x128x128xf32, #tpu.memory_space<vmem>>
    %dma_start3A_100 = tpu.memref_squeeze %dma_start3A_99 : memref<1x128x128xf32, #tpu.memory_space<vmem>> -> memref<128x128xf32, #tpu.memory_space<vmem>>
    %dma_start3A_101 = arith.constant 0 : i32
    %dma_start3A_102 = tpu.memref_slice %arg4[%add3A_95, %dma_start3A_101] : memref<819200x128xf32, #tpu.memory_space<hbm>> -> memref<128x128xf32, #tpu.memory_space<hbm>>
    %dma_start3A_103 = arith.constant 0 : i32
    %dma_start3A_104 = tpu.memref_slice %arg4[%add3A_95, %dma_start3A_103] : memref<819200x128xf32, #tpu.memory_space<hbm>> -> memref<128x128xf32, #tpu.memory_space<hbm>>
    %dma_start3A_105 = arith.constant 0 : i32
    %dma_start3A_106 = arith.constant 0 : i32
    %dma_start3A_107 = tpu.memref_slice %arg6[%dma_start3A_96, %dma_start3A_105, %dma_start3A_106] : memref<5x128x128xf32, #tpu.memory_space<vmem>> -> memref<1x128x128xf32, #tpu.memory_space<vmem>>
    %dma_start3A_108 = tpu.memref_squeeze %dma_start3A_107 : memref<1x128x128xf32, #tpu.memory_space<vmem>> -> memref<128x128xf32, #tpu.memory_space<vmem>>
    tpu.enqueue_dma source(%dma_start3A_108 : memref<128x128xf32, #tpu.memory_space<vmem>>) target(%dma_start3A_104 : memref<128x128xf32, #tpu.memory_space<hbm>>) target_semaphore(%arg14 : memref<!tpu.dma_semaphore, #tpu.memory_space<semaphore_mem>>)
    %dma_start3A_109 = arith.constant 4 : i32
    %dma_start3A_110 = arith.constant 4 : i32
    %dma_start3A_111 = arith.constant 0 : i32
    %dma_start3A_112 = arith.constant 0 : i32
    %dma_start3A_113 = tpu.memref_slice %arg6[%dma_start3A_110, %dma_start3A_111, %dma_start3A_112] : memref<5x128x128xf32, #tpu.memory_space<vmem>> -> memref<1x128x128xf32, #tpu.memory_space<vmem>>
    %dma_start3A_114 = tpu.memref_squeeze %dma_start3A_113 : memref<1x128x128xf32, #tpu.memory_space<vmem>> -> memref<128x128xf32, #tpu.memory_space<vmem>>
    %dma_start3A_115 = arith.constant 0 : i32
    %dma_start3A_116 = tpu.memref_slice %arg5[%dma_start3A_109, %dma_start3A_115] : memref<200x128xi32, #tpu.memory_space<vmem>> -> memref<1x128xi32, #tpu.memory_space<vmem>>
    %dma_start3A_117 = tpu.memref_squeeze %dma_start3A_116 : memref<1x128xi32, #tpu.memory_space<vmem>> -> memref<128xi32, #tpu.memory_space<vmem>>
    %dma_start3A_118 = arith.constant 0 : i32
    %dma_start3A_119 = arith.constant 0 : i32
    %dma_start3A_120 = tpu.memref_slice %arg7[%dma_start3A_118, %dma_start3A_119] : memref<2048x128xf32, #tpu.memory_space<vmem_shared>> -> memref<2048x128xf32, #tpu.memory_space<vmem_shared>>
    tpu.enqueue_indirect_dma source(%dma_start3A_120 : memref<2048x128xf32, #tpu.memory_space<vmem_shared>>) target(%dma_start3A_114 : memref<128x128xf32, #tpu.memory_space<vmem>>) offsets(%dma_start3A_117 : memref<128xi32, #tpu.memory_space<vmem>>) semaphore(%arg12 : memref<!tpu.dma_semaphore, #tpu.memory_space<semaphore_mem>>)
    %dma_wait3A_121 = arith.constant 2 : i32
    %dma_wait3A_122 = arith.constant 2 : i32
    %dma_wait3A_123 = arith.constant 0 : i32
    %dma_wait3A_124 = arith.constant 0 : i32
    %dma_wait3A_125 = tpu.memref_slice %arg6[%dma_wait3A_122, %dma_wait3A_123, %dma_wait3A_124] : memref<5x128x128xf32, #tpu.memory_space<vmem>> -> memref<1x128x128xf32, #tpu.memory_space<vmem>>
    %dma_wait3A_126 = tpu.memref_squeeze %dma_wait3A_125 : memref<1x128x128xf32, #tpu.memory_space<vmem>> -> memref<128x128xf32, #tpu.memory_space<vmem>>
    %dma_wait3A_127 = arith.constant 0 : i32
    %dma_wait3A_128 = tpu.memref_slice %arg5[%dma_wait3A_121, %dma_wait3A_127] : memref<200x128xi32, #tpu.memory_space<vmem>> -> memref<1x128xi32, #tpu.memory_space<vmem>>
    %dma_wait3A_129 = tpu.memref_squeeze %dma_wait3A_128 : memref<1x128xi32, #tpu.memory_space<vmem>> -> memref<128xi32, #tpu.memory_space<vmem>>
    %dma_wait3A_130 = arith.constant 0 : i32
    %dma_wait3A_131 = arith.constant 0 : i32
    %dma_wait3A_132 = tpu.memref_slice %arg7[%dma_wait3A_130, %dma_wait3A_131] : memref<2048x128xf32, #tpu.memory_space<vmem_shared>> -> memref<2048x128xf32, #tpu.memory_space<vmem_shared>>
    tpu.wait_indirect_dma semaphore(%arg10 : memref<!tpu.dma_semaphore, #tpu.memory_space<semaphore_mem>>) src(%dma_wait3A_132 : memref<2048x128xf32, #tpu.memory_space<vmem_shared>>) dst(%dma_wait3A_126 : memref<128x128xf32, #tpu.memory_space<vmem>>)
    %add3A_133 = arith.constant 256 : i32
    %add3A_134 = arith.addi %mul3A_2, %add3A_133 : i32
    %dma_start3A_135 = arith.constant 2 : i32
    %dma_start3A_136 = arith.constant 0 : i32
    %dma_start3A_137 = arith.constant 0 : i32
    %dma_start3A_138 = tpu.memref_slice %arg6[%dma_start3A_135, %dma_start3A_136, %dma_start3A_137] : memref<5x128x128xf32, #tpu.memory_space<vmem>> -> memref<1x128x128xf32, #tpu.memory_space<vmem>>
    %dma_start3A_139 = tpu.memref_squeeze %dma_start3A_138 : memref<1x128x128xf32, #tpu.memory_space<vmem>> -> memref<128x128xf32, #tpu.memory_space<vmem>>
    %dma_start3A_140 = arith.constant 0 : i32
    %dma_start3A_141 = tpu.memref_slice %arg4[%add3A_134, %dma_start3A_140] : memref<819200x128xf32, #tpu.memory_space<hbm>> -> memref<128x128xf32, #tpu.memory_space<hbm>>
    %dma_start3A_142 = arith.constant 0 : i32
    %dma_start3A_143 = tpu.memref_slice %arg4[%add3A_134, %dma_start3A_142] : memref<819200x128xf32, #tpu.memory_space<hbm>> -> memref<128x128xf32, #tpu.memory_space<hbm>>
    %dma_start3A_144 = arith.constant 0 : i32
    %dma_start3A_145 = arith.constant 0 : i32
    %dma_start3A_146 = tpu.memref_slice %arg6[%dma_start3A_135, %dma_start3A_144, %dma_start3A_145] : memref<5x128x128xf32, #tpu.memory_space<vmem>> -> memref<1x128x128xf32, #tpu.memory_space<vmem>>
    %dma_start3A_147 = tpu.memref_squeeze %dma_start3A_146 : memref<1x128x128xf32, #tpu.memory_space<vmem>> -> memref<128x128xf32, #tpu.memory_space<vmem>>
    tpu.enqueue_dma source(%dma_start3A_147 : memref<128x128xf32, #tpu.memory_space<vmem>>) target(%dma_start3A_143 : memref<128x128xf32, #tpu.memory_space<hbm>>) target_semaphore(%arg15 : memref<!tpu.dma_semaphore, #tpu.memory_space<semaphore_mem>>)
    %scan3A = arith.constant 0 : i32
    %scan3A_148 = arith.constant 0 : i32
    %scan3A_149 = arith.constant 39 : i32
    %scan3A_150 = arith.addi %scan3A_148, %scan3A_149 : i32
    %scan3A_151 = arith.constant 1 : i32
    scf.for %scan3A_282 = %scan3A_148 to %scan3A_150 step %scan3A_151  : i32 {
      %mul3A_283 = arith.constant 5 : i32
      %mul3A_284 = arith.muli %scan3A_282, %mul3A_283 : i32
      %add3A_285 = arith.constant 5 : i32
      %add3A_286 = arith.addi %add3A_285, %mul3A_284 : i32
      %add3A_287 = arith.constant 0 : i32
      %add3A_288 = arith.addi %add3A_286, %add3A_287 : i32
      %sub3A = arith.constant 5 : i32
      %sub3A_289 = arith.subi %add3A_288, %sub3A : i32
      %mul3A_290 = arith.constant 128 : i32
      %mul3A_291 = arith.muli %sub3A_289, %mul3A_290 : i32
      %add3A_292 = arith.addi %mul3A_2, %mul3A_291 : i32
      %dma_wait3A_293 = arith.constant 0 : i32
      %dma_wait3A_294 = arith.constant 0 : i32
      %dma_wait3A_295 = arith.constant 0 : i32
      %dma_wait3A_296 = tpu.memref_slice %arg6[%dma_wait3A_293, %dma_wait3A_294, %dma_wait3A_295] : memref<5x128x128xf32, #tpu.memory_space<vmem>> -> memref<1x128x128xf32, #tpu.memory_space<vmem>>
      %dma_wait3A_297 = tpu.memref_squeeze %dma_wait3A_296 : memref<1x128x128xf32, #tpu.memory_space<vmem>> -> memref<128x128xf32, #tpu.memory_space<vmem>>
      %dma_wait3A_298 = arith.constant 0 : i32
      %dma_wait3A_299 = tpu.memref_slice %arg4[%add3A_292, %dma_wait3A_298] : memref<819200x128xf32, #tpu.memory_space<hbm>> -> memref<128x128xf32, #tpu.memory_space<hbm>>
      %dma_wait3A_300 = arith.constant 0 : i32
      %dma_wait3A_301 = tpu.memref_slice %arg4[%add3A_292, %dma_wait3A_300] : memref<819200x128xf32, #tpu.memory_space<hbm>> -> memref<128x128xf32, #tpu.memory_space<hbm>>
      %dma_wait3A_302 = arith.constant 0 : i32
      %dma_wait3A_303 = arith.constant 0 : i32
      %dma_wait3A_304 = tpu.memref_slice %arg6[%dma_wait3A_293, %dma_wait3A_302, %dma_wait3A_303] : memref<5x128x128xf32, #tpu.memory_space<vmem>> -> memref<1x128x128xf32, #tpu.memory_space<vmem>>
      %dma_wait3A_305 = tpu.memref_squeeze %dma_wait3A_304 : memref<1x128x128xf32, #tpu.memory_space<vmem>> -> memref<128x128xf32, #tpu.memory_space<vmem>>
      tpu.wait_dma2 semaphore(%arg13 : memref<!tpu.dma_semaphore, #tpu.memory_space<semaphore_mem>>) src(%dma_wait3A_305 : memref<128x128xf32, #tpu.memory_space<vmem>>) dst(%dma_wait3A_301 : memref<128x128xf32, #tpu.memory_space<hbm>>)
      %dma_start3A_306 = arith.constant 0 : i32
      %dma_start3A_307 = arith.constant 0 : i32
      %dma_start3A_308 = arith.constant 0 : i32
      %dma_start3A_309 = tpu.memref_slice %arg6[%dma_start3A_306, %dma_start3A_307, %dma_start3A_308] : memref<5x128x128xf32, #tpu.memory_space<vmem>> -> memref<1x128x128xf32, #tpu.memory_space<vmem>>
      %dma_start3A_310 = tpu.memref_squeeze %dma_start3A_309 : memref<1x128x128xf32, #tpu.memory_space<vmem>> -> memref<128x128xf32, #tpu.memory_space<vmem>>
      %dma_start3A_311 = arith.constant 0 : i32
      %dma_start3A_312 = tpu.memref_slice %arg5[%add3A_288, %dma_start3A_311] : memref<200x128xi32, #tpu.memory_space<vmem>> -> memref<1x128xi32, #tpu.memory_space<vmem>>
      %dma_start3A_313 = tpu.memref_squeeze %dma_start3A_312 : memref<1x128xi32, #tpu.memory_space<vmem>> -> memref<128xi32, #tpu.memory_space<vmem>>
      %dma_start3A_314 = arith.constant 0 : i32
      %dma_start3A_315 = arith.constant 0 : i32
      %dma_start3A_316 = tpu.memref_slice %arg7[%dma_start3A_314, %dma_start3A_315] : memref<2048x128xf32, #tpu.memory_space<vmem_shared>> -> memref<2048x128xf32, #tpu.memory_space<vmem_shared>>
      tpu.enqueue_indirect_dma source(%dma_start3A_316 : memref<2048x128xf32, #tpu.memory_space<vmem_shared>>) target(%dma_start3A_310 : memref<128x128xf32, #tpu.memory_space<vmem>>) offsets(%dma_start3A_313 : memref<128xi32, #tpu.memory_space<vmem>>) semaphore(%arg8 : memref<!tpu.dma_semaphore, #tpu.memory_space<semaphore_mem>>)
      %sub3A_317 = arith.constant 2 : i32
      %sub3A_318 = arith.subi %add3A_288, %sub3A_317 : i32
      %dma_wait3A_319 = arith.constant 3 : i32
      %dma_wait3A_320 = arith.constant 0 : i32
      %dma_wait3A_321 = arith.constant 0 : i32
      %dma_wait3A_322 = tpu.memref_slice %arg6[%dma_wait3A_319, %dma_wait3A_320, %dma_wait3A_321] : memref<5x128x128xf32, #tpu.memory_space<vmem>> -> memref<1x128x128xf32, #tpu.memory_space<vmem>>
      %dma_wait3A_323 = tpu.memref_squeeze %dma_wait3A_322 : memref<1x128x128xf32, #tpu.memory_space<vmem>> -> memref<128x128xf32, #tpu.memory_space<vmem>>
      %dma_wait3A_324 = arith.constant 0 : i32
      %dma_wait3A_325 = tpu.memref_slice %arg5[%sub3A_318, %dma_wait3A_324] : memref<200x128xi32, #tpu.memory_space<vmem>> -> memref<1x128xi32, #tpu.memory_space<vmem>>
      %dma_wait3A_326 = tpu.memref_squeeze %dma_wait3A_325 : memref<1x128xi32, #tpu.memory_space<vmem>> -> memref<128xi32, #tpu.memory_space<vmem>>
      %dma_wait3A_327 = arith.constant 0 : i32
      %dma_wait3A_328 = arith.constant 0 : i32
      %dma_wait3A_329 = tpu.memref_slice %arg7[%dma_wait3A_327, %dma_wait3A_328] : memref<2048x128xf32, #tpu.memory_space<vmem_shared>> -> memref<2048x128xf32, #tpu.memory_space<vmem_shared>>
      tpu.wait_indirect_dma semaphore(%arg11 : memref<!tpu.dma_semaphore, #tpu.memory_space<semaphore_mem>>) src(%dma_wait3A_329 : memref<2048x128xf32, #tpu.memory_space<vmem_shared>>) dst(%dma_wait3A_323 : memref<128x128xf32, #tpu.memory_space<vmem>>)
      %sub3A_330 = arith.constant 2 : i32
      %sub3A_331 = arith.subi %add3A_288, %sub3A_330 : i32
      %mul3A_332 = arith.constant 128 : i32
      %mul3A_333 = arith.muli %sub3A_331, %mul3A_332 : i32
      %add3A_334 = arith.addi %mul3A_2, %mul3A_333 : i32
      %dma_start3A_335 = arith.constant 3 : i32
      %dma_start3A_336 = arith.constant 0 : i32
      %dma_start3A_337 = arith.constant 0 : i32
      %dma_start3A_338 = tpu.memref_slice %arg6[%dma_start3A_335, %dma_start3A_336, %dma_start3A_337] : memref<5x128x128xf32, #tpu.memory_space<vmem>> -> memref<1x128x128xf32, #tpu.memory_space<vmem>>
      %dma_start3A_339 = tpu.memref_squeeze %dma_start3A_338 : memref<1x128x128xf32, #tpu.memory_space<vmem>> -> memref<128x128xf32, #tpu.memory_space<vmem>>
      %dma_start3A_340 = arith.constant 0 : i32
      %dma_start3A_341 = tpu.memref_slice %arg4[%add3A_334, %dma_start3A_340] : memref<819200x128xf32, #tpu.memory_space<hbm>> -> memref<128x128xf32, #tpu.memory_space<hbm>>
      %dma_start3A_342 = arith.constant 0 : i32
      %dma_start3A_343 = tpu.memref_slice %arg4[%add3A_334, %dma_start3A_342] : memref<819200x128xf32, #tpu.memory_space<hbm>> -> memref<128x128xf32, #tpu.memory_space<hbm>>
      %dma_start3A_344 = arith.constant 0 : i32
      %dma_start3A_345 = arith.constant 0 : i32
      %dma_start3A_346 = tpu.memref_slice %arg6[%dma_start3A_335, %dma_start3A_344, %dma_start3A_345] : memref<5x128x128xf32, #tpu.memory_space<vmem>> -> memref<1x128x128xf32, #tpu.memory_space<vmem>>
      %dma_start3A_347 = tpu.memref_squeeze %dma_start3A_346 : memref<1x128x128xf32, #tpu.memory_space<vmem>> -> memref<128x128xf32, #tpu.memory_space<vmem>>
      tpu.enqueue_dma source(%dma_start3A_347 : memref<128x128xf32, #tpu.memory_space<vmem>>) target(%dma_start3A_343 : memref<128x128xf32, #tpu.memory_space<hbm>>) target_semaphore(%arg16 : memref<!tpu.dma_semaphore, #tpu.memory_space<semaphore_mem>>)
      %add3A_348 = arith.constant 1 : i32
      %add3A_349 = arith.addi %add3A_286, %add3A_348 : i32
      %sub3A_350 = arith.constant 5 : i32
      %sub3A_351 = arith.subi %add3A_349, %sub3A_350 : i32
      %mul3A_352 = arith.constant 128 : i32
      %mul3A_353 = arith.muli %sub3A_351, %mul3A_352 : i32
      %add3A_354 = arith.addi %mul3A_2, %mul3A_353 : i32
      %dma_wait3A_355 = arith.constant 1 : i32
      %dma_wait3A_356 = arith.constant 0 : i32
      %dma_wait3A_357 = arith.constant 0 : i32
      %dma_wait3A_358 = tpu.memref_slice %arg6[%dma_wait3A_355, %dma_wait3A_356, %dma_wait3A_357] : memref<5x128x128xf32, #tpu.memory_space<vmem>> -> memref<1x128x128xf32, #tpu.memory_space<vmem>>
      %dma_wait3A_359 = tpu.memref_squeeze %dma_wait3A_358 : memref<1x128x128xf32, #tpu.memory_space<vmem>> -> memref<128x128xf32, #tpu.memory_space<vmem>>
      %dma_wait3A_360 = arith.constant 0 : i32
      %dma_wait3A_361 = tpu.memref_slice %arg4[%add3A_354, %dma_wait3A_360] : memref<819200x128xf32, #tpu.memory_space<hbm>> -> memref<128x128xf32, #tpu.memory_space<hbm>>
      %dma_wait3A_362 = arith.constant 0 : i32
      %dma_wait3A_363 = tpu.memref_slice %arg4[%add3A_354, %dma_wait3A_362] : memref<819200x128xf32, #tpu.memory_space<hbm>> -> memref<128x128xf32, #tpu.memory_space<hbm>>
      %dma_wait3A_364 = arith.constant 0 : i32
      %dma_wait3A_365 = arith.constant 0 : i32
      %dma_wait3A_366 = tpu.memref_slice %arg6[%dma_wait3A_355, %dma_wait3A_364, %dma_wait3A_365] : memref<5x128x128xf32, #tpu.memory_space<vmem>> -> memref<1x128x128xf32, #tpu.memory_space<vmem>>
      %dma_wait3A_367 = tpu.memref_squeeze %dma_wait3A_366 : memref<1x128x128xf32, #tpu.memory_space<vmem>> -> memref<128x128xf32, #tpu.memory_space<vmem>>
      tpu.wait_dma2 semaphore(%arg14 : memref<!tpu.dma_semaphore, #tpu.memory_space<semaphore_mem>>) src(%dma_wait3A_367 : memref<128x128xf32, #tpu.memory_space<vmem>>) dst(%dma_wait3A_363 : memref<128x128xf32, #tpu.memory_space<hbm>>)
      %dma_start3A_368 = arith.constant 1 : i32
      %dma_start3A_369 = arith.constant 0 : i32
      %dma_start3A_370 = arith.constant 0 : i32
      %dma_start3A_371 = tpu.memref_slice %arg6[%dma_start3A_368, %dma_start3A_369, %dma_start3A_370] : memref<5x128x128xf32, #tpu.memory_space<vmem>> -> memref<1x128x128xf32, #tpu.memory_space<vmem>>
      %dma_start3A_372 = tpu.memref_squeeze %dma_start3A_371 : memref<1x128x128xf32, #tpu.memory_space<vmem>> -> memref<128x128xf32, #tpu.memory_space<vmem>>
      %dma_start3A_373 = arith.constant 0 : i32
      %dma_start3A_374 = tpu.memref_slice %arg5[%add3A_349, %dma_start3A_373] : memref<200x128xi32, #tpu.memory_space<vmem>> -> memref<1x128xi32, #tpu.memory_space<vmem>>
      %dma_start3A_375 = tpu.memref_squeeze %dma_start3A_374 : memref<1x128xi32, #tpu.memory_space<vmem>> -> memref<128xi32, #tpu.memory_space<vmem>>
      %dma_start3A_376 = arith.constant 0 : i32
      %dma_start3A_377 = arith.constant 0 : i32
      %dma_start3A_378 = tpu.memref_slice %arg7[%dma_start3A_376, %dma_start3A_377] : memref<2048x128xf32, #tpu.memory_space<vmem_shared>> -> memref<2048x128xf32, #tpu.memory_space<vmem_shared>>
      tpu.enqueue_indirect_dma source(%dma_start3A_378 : memref<2048x128xf32, #tpu.memory_space<vmem_shared>>) target(%dma_start3A_372 : memref<128x128xf32, #tpu.memory_space<vmem>>) offsets(%dma_start3A_375 : memref<128xi32, #tpu.memory_space<vmem>>) semaphore(%arg9 : memref<!tpu.dma_semaphore, #tpu.memory_space<semaphore_mem>>)
      %sub3A_379 = arith.constant 2 : i32
      %sub3A_380 = arith.subi %add3A_349, %sub3A_379 : i32
      %dma_wait3A_381 = arith.constant 4 : i32
      %dma_wait3A_382 = arith.constant 0 : i32
      %dma_wait3A_383 = arith.constant 0 : i32
      %dma_wait3A_384 = tpu.memref_slice %arg6[%dma_wait3A_381, %dma_wait3A_382, %dma_wait3A_383] : memref<5x128x128xf32, #tpu.memory_space<vmem>> -> memref<1x128x128xf32, #tpu.memory_space<vmem>>
      %dma_wait3A_385 = tpu.memref_squeeze %dma_wait3A_384 : memref<1x128x128xf32, #tpu.memory_space<vmem>> -> memref<128x128xf32, #tpu.memory_space<vmem>>
      %dma_wait3A_386 = arith.constant 0 : i32
      %dma_wait3A_387 = tpu.memref_slice %arg5[%sub3A_380, %dma_wait3A_386] : memref<200x128xi32, #tpu.memory_space<vmem>> -> memref<1x128xi32, #tpu.memory_space<vmem>>
      %dma_wait3A_388 = tpu.memref_squeeze %dma_wait3A_387 : memref<1x128xi32, #tpu.memory_space<vmem>> -> memref<128xi32, #tpu.memory_space<vmem>>
      %dma_wait3A_389 = arith.constant 0 : i32
      %dma_wait3A_390 = arith.constant 0 : i32
      %dma_wait3A_391 = tpu.memref_slice %arg7[%dma_wait3A_389, %dma_wait3A_390] : memref<2048x128xf32, #tpu.memory_space<vmem_shared>> -> memref<2048x128xf32, #tpu.memory_space<vmem_shared>>
      tpu.wait_indirect_dma semaphore(%arg12 : memref<!tpu.dma_semaphore, #tpu.memory_space<semaphore_mem>>) src(%dma_wait3A_391 : memref<2048x128xf32, #tpu.memory_space<vmem_shared>>) dst(%dma_wait3A_385 : memref<128x128xf32, #tpu.memory_space<vmem>>)
      %sub3A_392 = arith.constant 2 : i32
      %sub3A_393 = arith.subi %add3A_349, %sub3A_392 : i32
      %mul3A_394 = arith.constant 128 : i32
      %mul3A_395 = arith.muli %sub3A_393, %mul3A_394 : i32
      %add3A_396 = arith.addi %mul3A_2, %mul3A_395 : i32
      %dma_start3A_397 = arith.constant 4 : i32
      %dma_start3A_398 = arith.constant 0 : i32
      %dma_start3A_399 = arith.constant 0 : i32
      %dma_start3A_400 = tpu.memref_slice %arg6[%dma_start3A_397, %dma_start3A_398, %dma_start3A_399] : memref<5x128x128xf32, #tpu.memory_space<vmem>> -> memref<1x128x128xf32, #tpu.memory_space<vmem>>
      %dma_start3A_401 = tpu.memref_squeeze %dma_start3A_400 : memref<1x128x128xf32, #tpu.memory_space<vmem>> -> memref<128x128xf32, #tpu.memory_space<vmem>>
      %dma_start3A_402 = arith.constant 0 : i32
      %dma_start3A_403 = tpu.memref_slice %arg4[%add3A_396, %dma_start3A_402] : memref<819200x128xf32, #tpu.memory_space<hbm>> -> memref<128x128xf32, #tpu.memory_space<hbm>>
      %dma_start3A_404 = arith.constant 0 : i32
      %dma_start3A_405 = tpu.memref_slice %arg4[%add3A_396, %dma_start3A_404] : memref<819200x128xf32, #tpu.memory_space<hbm>> -> memref<128x128xf32, #tpu.memory_space<hbm>>
      %dma_start3A_406 = arith.constant 0 : i32
      %dma_start3A_407 = arith.constant 0 : i32
      %dma_start3A_408 = tpu.memref_slice %arg6[%dma_start3A_397, %dma_start3A_406, %dma_start3A_407] : memref<5x128x128xf32, #tpu.memory_space<vmem>> -> memref<1x128x128xf32, #tpu.memory_space<vmem>>
      %dma_start3A_409 = tpu.memref_squeeze %dma_start3A_408 : memref<1x128x128xf32, #tpu.memory_space<vmem>> -> memref<128x128xf32, #tpu.memory_space<vmem>>
      tpu.enqueue_dma source(%dma_start3A_409 : memref<128x128xf32, #tpu.memory_space<vmem>>) target(%dma_start3A_405 : memref<128x128xf32, #tpu.memory_space<hbm>>) target_semaphore(%arg17 : memref<!tpu.dma_semaphore, #tpu.memory_space<semaphore_mem>>)
      %add3A_410 = arith.constant 2 : i32
      %add3A_411 = arith.addi %add3A_286, %add3A_410 : i32
      %sub3A_412 = arith.constant 5 : i32
      %sub3A_413 = arith.subi %add3A_411, %sub3A_412 : i32
      %mul3A_414 = arith.constant 128 : i32
      %mul3A_415 = arith.muli %sub3A_413, %mul3A_414 : i32
      %add3A_416 = arith.addi %mul3A_2, %mul3A_415 : i32
      %dma_wait3A_417 = arith.constant 2 : i32
      %dma_wait3A_418 = arith.constant 0 : i32
      %dma_wait3A_419 = arith.constant 0 : i32
      %dma_wait3A_420 = tpu.memref_slice %arg6[%dma_wait3A_417, %dma_wait3A_418, %dma_wait3A_419] : memref<5x128x128xf32, #tpu.memory_space<vmem>> -> memref<1x128x128xf32, #tpu.memory_space<vmem>>
      %dma_wait3A_421 = tpu.memref_squeeze %dma_wait3A_420 : memref<1x128x128xf32, #tpu.memory_space<vmem>> -> memref<128x128xf32, #tpu.memory_space<vmem>>
      %dma_wait3A_422 = arith.constant 0 : i32
      %dma_wait3A_423 = tpu.memref_slice %arg4[%add3A_416, %dma_wait3A_422] : memref<819200x128xf32, #tpu.memory_space<hbm>> -> memref<128x128xf32, #tpu.memory_space<hbm>>
      %dma_wait3A_424 = arith.constant 0 : i32
      %dma_wait3A_425 = tpu.memref_slice %arg4[%add3A_416, %dma_wait3A_424] : memref<819200x128xf32, #tpu.memory_space<hbm>> -> memref<128x128xf32, #tpu.memory_space<hbm>>
      %dma_wait3A_426 = arith.constant 0 : i32
      %dma_wait3A_427 = arith.constant 0 : i32
      %dma_wait3A_428 = tpu.memref_slice %arg6[%dma_wait3A_417, %dma_wait3A_426, %dma_wait3A_427] : memref<5x128x128xf32, #tpu.memory_space<vmem>> -> memref<1x128x128xf32, #tpu.memory_space<vmem>>
      %dma_wait3A_429 = tpu.memref_squeeze %dma_wait3A_428 : memref<1x128x128xf32, #tpu.memory_space<vmem>> -> memref<128x128xf32, #tpu.memory_space<vmem>>
      tpu.wait_dma2 semaphore(%arg15 : memref<!tpu.dma_semaphore, #tpu.memory_space<semaphore_mem>>) src(%dma_wait3A_429 : memref<128x128xf32, #tpu.memory_space<vmem>>) dst(%dma_wait3A_425 : memref<128x128xf32, #tpu.memory_space<hbm>>)
      %dma_start3A_430 = arith.constant 2 : i32
      %dma_start3A_431 = arith.constant 0 : i32
      %dma_start3A_432 = arith.constant 0 : i32
      %dma_start3A_433 = tpu.memref_slice %arg6[%dma_start3A_430, %dma_start3A_431, %dma_start3A_432] : memref<5x128x128xf32, #tpu.memory_space<vmem>> -> memref<1x128x128xf32, #tpu.memory_space<vmem>>
      %dma_start3A_434 = tpu.memref_squeeze %dma_start3A_433 : memref<1x128x128xf32, #tpu.memory_space<vmem>> -> memref<128x128xf32, #tpu.memory_space<vmem>>
      %dma_start3A_435 = arith.constant 0 : i32
      %dma_start3A_436 = tpu.memref_slice %arg5[%add3A_411, %dma_start3A_435] : memref<200x128xi32, #tpu.memory_space<vmem>> -> memref<1x128xi32, #tpu.memory_space<vmem>>
      %dma_start3A_437 = tpu.memref_squeeze %dma_start3A_436 : memref<1x128xi32, #tpu.memory_space<vmem>> -> memref<128xi32, #tpu.memory_space<vmem>>
      %dma_start3A_438 = arith.constant 0 : i32
      %dma_start3A_439 = arith.constant 0 : i32
      %dma_start3A_440 = tpu.memref_slice %arg7[%dma_start3A_438, %dma_start3A_439] : memref<2048x128xf32, #tpu.memory_space<vmem_shared>> -> memref<2048x128xf32, #tpu.memory_space<vmem_shared>>
      tpu.enqueue_indirect_dma source(%dma_start3A_440 : memref<2048x128xf32, #tpu.memory_space<vmem_shared>>) target(%dma_start3A_434 : memref<128x128xf32, #tpu.memory_space<vmem>>) offsets(%dma_start3A_437 : memref<128xi32, #tpu.memory_space<vmem>>) semaphore(%arg10 : memref<!tpu.dma_semaphore, #tpu.memory_space<semaphore_mem>>)
      %sub3A_441 = arith.constant 2 : i32
      %sub3A_442 = arith.subi %add3A_411, %sub3A_441 : i32
      %dma_wait3A_443 = arith.constant 0 : i32
      %dma_wait3A_444 = arith.constant 0 : i32
      %dma_wait3A_445 = arith.constant 0 : i32
      %dma_wait3A_446 = tpu.memref_slice %arg6[%dma_wait3A_443, %dma_wait3A_444, %dma_wait3A_445] : memref<5x128x128xf32, #tpu.memory_space<vmem>> -> memref<1x128x128xf32, #tpu.memory_space<vmem>>
      %dma_wait3A_447 = tpu.memref_squeeze %dma_wait3A_446 : memref<1x128x128xf32, #tpu.memory_space<vmem>> -> memref<128x128xf32, #tpu.memory_space<vmem>>
      %dma_wait3A_448 = arith.constant 0 : i32
      %dma_wait3A_449 = tpu.memref_slice %arg5[%sub3A_442, %dma_wait3A_448] : memref<200x128xi32, #tpu.memory_space<vmem>> -> memref<1x128xi32, #tpu.memory_space<vmem>>
      %dma_wait3A_450 = tpu.memref_squeeze %dma_wait3A_449 : memref<1x128xi32, #tpu.memory_space<vmem>> -> memref<128xi32, #tpu.memory_space<vmem>>
      %dma_wait3A_451 = arith.constant 0 : i32
      %dma_wait3A_452 = arith.constant 0 : i32
      %dma_wait3A_453 = tpu.memref_slice %arg7[%dma_wait3A_451, %dma_wait3A_452] : memref<2048x128xf32, #tpu.memory_space<vmem_shared>> -> memref<2048x128xf32, #tpu.memory_space<vmem_shared>>
      tpu.wait_indirect_dma semaphore(%arg8 : memref<!tpu.dma_semaphore, #tpu.memory_space<semaphore_mem>>) src(%dma_wait3A_453 : memref<2048x128xf32, #tpu.memory_space<vmem_shared>>) dst(%dma_wait3A_447 : memref<128x128xf32, #tpu.memory_space<vmem>>)
      %sub3A_454 = arith.constant 2 : i32
      %sub3A_455 = arith.subi %add3A_411, %sub3A_454 : i32
      %mul3A_456 = arith.constant 128 : i32
      %mul3A_457 = arith.muli %sub3A_455, %mul3A_456 : i32
      %add3A_458 = arith.addi %mul3A_2, %mul3A_457 : i32
      %dma_start3A_459 = arith.constant 0 : i32
      %dma_start3A_460 = arith.constant 0 : i32
      %dma_start3A_461 = arith.constant 0 : i32
      %dma_start3A_462 = tpu.memref_slice %arg6[%dma_start3A_459, %dma_start3A_460, %dma_start3A_461] : memref<5x128x128xf32, #tpu.memory_space<vmem>> -> memref<1x128x128xf32, #tpu.memory_space<vmem>>
      %dma_start3A_463 = tpu.memref_squeeze %dma_start3A_462 : memref<1x128x128xf32, #tpu.memory_space<vmem>> -> memref<128x128xf32, #tpu.memory_space<vmem>>
      %dma_start3A_464 = arith.constant 0 : i32
      %dma_start3A_465 = tpu.memref_slice %arg4[%add3A_458, %dma_start3A_464] : memref<819200x128xf32, #tpu.memory_space<hbm>> -> memref<128x128xf32, #tpu.memory_space<hbm>>
      %dma_start3A_466 = arith.constant 0 : i32
      %dma_start3A_467 = tpu.memref_slice %arg4[%add3A_458, %dma_start3A_466] : memref<819200x128xf32, #tpu.memory_space<hbm>> -> memref<128x128xf32, #tpu.memory_space<hbm>>
      %dma_start3A_468 = arith.constant 0 : i32
      %dma_start3A_469 = arith.constant 0 : i32
      %dma_start3A_470 = tpu.memref_slice %arg6[%dma_start3A_459, %dma_start3A_468, %dma_start3A_469] : memref<5x128x128xf32, #tpu.memory_space<vmem>> -> memref<1x128x128xf32, #tpu.memory_space<vmem>>
      %dma_start3A_471 = tpu.memref_squeeze %dma_start3A_470 : memref<1x128x128xf32, #tpu.memory_space<vmem>> -> memref<128x128xf32, #tpu.memory_space<vmem>>
      tpu.enqueue_dma source(%dma_start3A_471 : memref<128x128xf32, #tpu.memory_space<vmem>>) target(%dma_start3A_467 : memref<128x128xf32, #tpu.memory_space<hbm>>) target_semaphore(%arg13 : memref<!tpu.dma_semaphore, #tpu.memory_space<semaphore_mem>>)
      %add3A_472 = arith.constant 3 : i32
      %add3A_473 = arith.addi %add3A_286, %add3A_472 : i32
      %sub3A_474 = arith.constant 5 : i32
      %sub3A_475 = arith.subi %add3A_473, %sub3A_474 : i32
      %mul3A_476 = arith.constant 128 : i32
      %mul3A_477 = arith.muli %sub3A_475, %mul3A_476 : i32
      %add3A_478 = arith.addi %mul3A_2, %mul3A_477 : i32
      %dma_wait3A_479 = arith.constant 3 : i32
      %dma_wait3A_480 = arith.constant 0 : i32
      %dma_wait3A_481 = arith.constant 0 : i32
      %dma_wait3A_482 = tpu.memref_slice %arg6[%dma_wait3A_479, %dma_wait3A_480, %dma_wait3A_481] : memref<5x128x128xf32, #tpu.memory_space<vmem>> -> memref<1x128x128xf32, #tpu.memory_space<vmem>>
      %dma_wait3A_483 = tpu.memref_squeeze %dma_wait3A_482 : memref<1x128x128xf32, #tpu.memory_space<vmem>> -> memref<128x128xf32, #tpu.memory_space<vmem>>
      %dma_wait3A_484 = arith.constant 0 : i32
      %dma_wait3A_485 = tpu.memref_slice %arg4[%add3A_478, %dma_wait3A_484] : memref<819200x128xf32, #tpu.memory_space<hbm>> -> memref<128x128xf32, #tpu.memory_space<hbm>>
      %dma_wait3A_486 = arith.constant 0 : i32
      %dma_wait3A_487 = tpu.memref_slice %arg4[%add3A_478, %dma_wait3A_486] : memref<819200x128xf32, #tpu.memory_space<hbm>> -> memref<128x128xf32, #tpu.memory_space<hbm>>
      %dma_wait3A_488 = arith.constant 0 : i32
      %dma_wait3A_489 = arith.constant 0 : i32
      %dma_wait3A_490 = tpu.memref_slice %arg6[%dma_wait3A_479, %dma_wait3A_488, %dma_wait3A_489] : memref<5x128x128xf32, #tpu.memory_space<vmem>> -> memref<1x128x128xf32, #tpu.memory_space<vmem>>
      %dma_wait3A_491 = tpu.memref_squeeze %dma_wait3A_490 : memref<1x128x128xf32, #tpu.memory_space<vmem>> -> memref<128x128xf32, #tpu.memory_space<vmem>>
      tpu.wait_dma2 semaphore(%arg16 : memref<!tpu.dma_semaphore, #tpu.memory_space<semaphore_mem>>) src(%dma_wait3A_491 : memref<128x128xf32, #tpu.memory_space<vmem>>) dst(%dma_wait3A_487 : memref<128x128xf32, #tpu.memory_space<hbm>>)
      %dma_start3A_492 = arith.constant 3 : i32
      %dma_start3A_493 = arith.constant 0 : i32
      %dma_start3A_494 = arith.constant 0 : i32
      %dma_start3A_495 = tpu.memref_slice %arg6[%dma_start3A_492, %dma_start3A_493, %dma_start3A_494] : memref<5x128x128xf32, #tpu.memory_space<vmem>> -> memref<1x128x128xf32, #tpu.memory_space<vmem>>
      %dma_start3A_496 = tpu.memref_squeeze %dma_start3A_495 : memref<1x128x128xf32, #tpu.memory_space<vmem>> -> memref<128x128xf32, #tpu.memory_space<vmem>>
      %dma_start3A_497 = arith.constant 0 : i32
      %dma_start3A_498 = tpu.memref_slice %arg5[%add3A_473, %dma_start3A_497] : memref<200x128xi32, #tpu.memory_space<vmem>> -> memref<1x128xi32, #tpu.memory_space<vmem>>
      %dma_start3A_499 = tpu.memref_squeeze %dma_start3A_498 : memref<1x128xi32, #tpu.memory_space<vmem>> -> memref<128xi32, #tpu.memory_space<vmem>>
      %dma_start3A_500 = arith.constant 0 : i32
      %dma_start3A_501 = arith.constant 0 : i32
      %dma_start3A_502 = tpu.memref_slice %arg7[%dma_start3A_500, %dma_start3A_501] : memref<2048x128xf32, #tpu.memory_space<vmem_shared>> -> memref<2048x128xf32, #tpu.memory_space<vmem_shared>>
      tpu.enqueue_indirect_dma source(%dma_start3A_502 : memref<2048x128xf32, #tpu.memory_space<vmem_shared>>) target(%dma_start3A_496 : memref<128x128xf32, #tpu.memory_space<vmem>>) offsets(%dma_start3A_499 : memref<128xi32, #tpu.memory_space<vmem>>) semaphore(%arg11 : memref<!tpu.dma_semaphore, #tpu.memory_space<semaphore_mem>>)
      %sub3A_503 = arith.constant 2 : i32
      %sub3A_504 = arith.subi %add3A_473, %sub3A_503 : i32
      %dma_wait3A_505 = arith.constant 1 : i32
      %dma_wait3A_506 = arith.constant 0 : i32
      %dma_wait3A_507 = arith.constant 0 : i32
      %dma_wait3A_508 = tpu.memref_slice %arg6[%dma_wait3A_505, %dma_wait3A_506, %dma_wait3A_507] : memref<5x128x128xf32, #tpu.memory_space<vmem>> -> memref<1x128x128xf32, #tpu.memory_space<vmem>>
      %dma_wait3A_509 = tpu.memref_squeeze %dma_wait3A_508 : memref<1x128x128xf32, #tpu.memory_space<vmem>> -> memref<128x128xf32, #tpu.memory_space<vmem>>
      %dma_wait3A_510 = arith.constant 0 : i32
      %dma_wait3A_511 = tpu.memref_slice %arg5[%sub3A_504, %dma_wait3A_510] : memref<200x128xi32, #tpu.memory_space<vmem>> -> memref<1x128xi32, #tpu.memory_space<vmem>>
      %dma_wait3A_512 = tpu.memref_squeeze %dma_wait3A_511 : memref<1x128xi32, #tpu.memory_space<vmem>> -> memref<128xi32, #tpu.memory_space<vmem>>
      %dma_wait3A_513 = arith.constant 0 : i32
      %dma_wait3A_514 = arith.constant 0 : i32
      %dma_wait3A_515 = tpu.memref_slice %arg7[%dma_wait3A_513, %dma_wait3A_514] : memref<2048x128xf32, #tpu.memory_space<vmem_shared>> -> memref<2048x128xf32, #tpu.memory_space<vmem_shared>>
      tpu.wait_indirect_dma semaphore(%arg9 : memref<!tpu.dma_semaphore, #tpu.memory_space<semaphore_mem>>) src(%dma_wait3A_515 : memref<2048x128xf32, #tpu.memory_space<vmem_shared>>) dst(%dma_wait3A_509 : memref<128x128xf32, #tpu.memory_space<vmem>>)
      %sub3A_516 = arith.constant 2 : i32
      %sub3A_517 = arith.subi %add3A_473, %sub3A_516 : i32
      %mul3A_518 = arith.constant 128 : i32
      %mul3A_519 = arith.muli %sub3A_517, %mul3A_518 : i32
      %add3A_520 = arith.addi %mul3A_2, %mul3A_519 : i32
      %dma_start3A_521 = arith.constant 1 : i32
      %dma_start3A_522 = arith.constant 0 : i32
      %dma_start3A_523 = arith.constant 0 : i32
      %dma_start3A_524 = tpu.memref_slice %arg6[%dma_start3A_521, %dma_start3A_522, %dma_start3A_523] : memref<5x128x128xf32, #tpu.memory_space<vmem>> -> memref<1x128x128xf32, #tpu.memory_space<vmem>>
      %dma_start3A_525 = tpu.memref_squeeze %dma_start3A_524 : memref<1x128x128xf32, #tpu.memory_space<vmem>> -> memref<128x128xf32, #tpu.memory_space<vmem>>
      %dma_start3A_526 = arith.constant 0 : i32
      %dma_start3A_527 = tpu.memref_slice %arg4[%add3A_520, %dma_start3A_526] : memref<819200x128xf32, #tpu.memory_space<hbm>> -> memref<128x128xf32, #tpu.memory_space<hbm>>
      %dma_start3A_528 = arith.constant 0 : i32
      %dma_start3A_529 = tpu.memref_slice %arg4[%add3A_520, %dma_start3A_528] : memref<819200x128xf32, #tpu.memory_space<hbm>> -> memref<128x128xf32, #tpu.memory_space<hbm>>
      %dma_start3A_530 = arith.constant 0 : i32
      %dma_start3A_531 = arith.constant 0 : i32
      %dma_start3A_532 = tpu.memref_slice %arg6[%dma_start3A_521, %dma_start3A_530, %dma_start3A_531] : memref<5x128x128xf32, #tpu.memory_space<vmem>> -> memref<1x128x128xf32, #tpu.memory_space<vmem>>
      %dma_start3A_533 = tpu.memref_squeeze %dma_start3A_532 : memref<1x128x128xf32, #tpu.memory_space<vmem>> -> memref<128x128xf32, #tpu.memory_space<vmem>>
      tpu.enqueue_dma source(%dma_start3A_533 : memref<128x128xf32, #tpu.memory_space<vmem>>) target(%dma_start3A_529 : memref<128x128xf32, #tpu.memory_space<hbm>>) target_semaphore(%arg14 : memref<!tpu.dma_semaphore, #tpu.memory_space<semaphore_mem>>)
      %add3A_534 = arith.constant 4 : i32
      %add3A_535 = arith.addi %add3A_286, %add3A_534 : i32
      %sub3A_536 = arith.constant 5 : i32
      %sub3A_537 = arith.subi %add3A_535, %sub3A_536 : i32
      %mul3A_538 = arith.constant 128 : i32
      %mul3A_539 = arith.muli %sub3A_537, %mul3A_538 : i32
      %add3A_540 = arith.addi %mul3A_2, %mul3A_539 : i32
      %dma_wait3A_541 = arith.constant 4 : i32
      %dma_wait3A_542 = arith.constant 0 : i32
      %dma_wait3A_543 = arith.constant 0 : i32
      %dma_wait3A_544 = tpu.memref_slice %arg6[%dma_wait3A_541, %dma_wait3A_542, %dma_wait3A_543] : memref<5x128x128xf32, #tpu.memory_space<vmem>> -> memref<1x128x128xf32, #tpu.memory_space<vmem>>
      %dma_wait3A_545 = tpu.memref_squeeze %dma_wait3A_544 : memref<1x128x128xf32, #tpu.memory_space<vmem>> -> memref<128x128xf32, #tpu.memory_space<vmem>>
      %dma_wait3A_546 = arith.constant 0 : i32
      %dma_wait3A_547 = tpu.memref_slice %arg4[%add3A_540, %dma_wait3A_546] : memref<819200x128xf32, #tpu.memory_space<hbm>> -> memref<128x128xf32, #tpu.memory_space<hbm>>
      %dma_wait3A_548 = arith.constant 0 : i32
      %dma_wait3A_549 = tpu.memref_slice %arg4[%add3A_540, %dma_wait3A_548] : memref<819200x128xf32, #tpu.memory_space<hbm>> -> memref<128x128xf32, #tpu.memory_space<hbm>>
      %dma_wait3A_550 = arith.constant 0 : i32
      %dma_wait3A_551 = arith.constant 0 : i32
      %dma_wait3A_552 = tpu.memref_slice %arg6[%dma_wait3A_541, %dma_wait3A_550, %dma_wait3A_551] : memref<5x128x128xf32, #tpu.memory_space<vmem>> -> memref<1x128x128xf32, #tpu.memory_space<vmem>>
      %dma_wait3A_553 = tpu.memref_squeeze %dma_wait3A_552 : memref<1x128x128xf32, #tpu.memory_space<vmem>> -> memref<128x128xf32, #tpu.memory_space<vmem>>
      tpu.wait_dma2 semaphore(%arg17 : memref<!tpu.dma_semaphore, #tpu.memory_space<semaphore_mem>>) src(%dma_wait3A_553 : memref<128x128xf32, #tpu.memory_space<vmem>>) dst(%dma_wait3A_549 : memref<128x128xf32, #tpu.memory_space<hbm>>)
      %dma_start3A_554 = arith.constant 4 : i32
      %dma_start3A_555 = arith.constant 0 : i32
      %dma_start3A_556 = arith.constant 0 : i32
      %dma_start3A_557 = tpu.memref_slice %arg6[%dma_start3A_554, %dma_start3A_555, %dma_start3A_556] : memref<5x128x128xf32, #tpu.memory_space<vmem>> -> memref<1x128x128xf32, #tpu.memory_space<vmem>>
      %dma_start3A_558 = tpu.memref_squeeze %dma_start3A_557 : memref<1x128x128xf32, #tpu.memory_space<vmem>> -> memref<128x128xf32, #tpu.memory_space<vmem>>
      %dma_start3A_559 = arith.constant 0 : i32
      %dma_start3A_560 = tpu.memref_slice %arg5[%add3A_535, %dma_start3A_559] : memref<200x128xi32, #tpu.memory_space<vmem>> -> memref<1x128xi32, #tpu.memory_space<vmem>>
      %dma_start3A_561 = tpu.memref_squeeze %dma_start3A_560 : memref<1x128xi32, #tpu.memory_space<vmem>> -> memref<128xi32, #tpu.memory_space<vmem>>
      %dma_start3A_562 = arith.constant 0 : i32
      %dma_start3A_563 = arith.constant 0 : i32
      %dma_start3A_564 = tpu.memref_slice %arg7[%dma_start3A_562, %dma_start3A_563] : memref<2048x128xf32, #tpu.memory_space<vmem_shared>> -> memref<2048x128xf32, #tpu.memory_space<vmem_shared>>
      tpu.enqueue_indirect_dma source(%dma_start3A_564 : memref<2048x128xf32, #tpu.memory_space<vmem_shared>>) target(%dma_start3A_558 : memref<128x128xf32, #tpu.memory_space<vmem>>) offsets(%dma_start3A_561 : memref<128xi32, #tpu.memory_space<vmem>>) semaphore(%arg12 : memref<!tpu.dma_semaphore, #tpu.memory_space<semaphore_mem>>)
      %sub3A_565 = arith.constant 2 : i32
      %sub3A_566 = arith.subi %add3A_535, %sub3A_565 : i32
      %dma_wait3A_567 = arith.constant 2 : i32
      %dma_wait3A_568 = arith.constant 0 : i32
      %dma_wait3A_569 = arith.constant 0 : i32
      %dma_wait3A_570 = tpu.memref_slice %arg6[%dma_wait3A_567, %dma_wait3A_568, %dma_wait3A_569] : memref<5x128x128xf32, #tpu.memory_space<vmem>> -> memref<1x128x128xf32, #tpu.memory_space<vmem>>
      %dma_wait3A_571 = tpu.memref_squeeze %dma_wait3A_570 : memref<1x128x128xf32, #tpu.memory_space<vmem>> -> memref<128x128xf32, #tpu.memory_space<vmem>>
      %dma_wait3A_572 = arith.constant 0 : i32
      %dma_wait3A_573 = tpu.memref_slice %arg5[%sub3A_566, %dma_wait3A_572] : memref<200x128xi32, #tpu.memory_space<vmem>> -> memref<1x128xi32, #tpu.memory_space<vmem>>
      %dma_wait3A_574 = tpu.memref_squeeze %dma_wait3A_573 : memref<1x128xi32, #tpu.memory_space<vmem>> -> memref<128xi32, #tpu.memory_space<vmem>>
      %dma_wait3A_575 = arith.constant 0 : i32
      %dma_wait3A_576 = arith.constant 0 : i32
      %dma_wait3A_577 = tpu.memref_slice %arg7[%dma_wait3A_575, %dma_wait3A_576] : memref<2048x128xf32, #tpu.memory_space<vmem_shared>> -> memref<2048x128xf32, #tpu.memory_space<vmem_shared>>
      tpu.wait_indirect_dma semaphore(%arg10 : memref<!tpu.dma_semaphore, #tpu.memory_space<semaphore_mem>>) src(%dma_wait3A_577 : memref<2048x128xf32, #tpu.memory_space<vmem_shared>>) dst(%dma_wait3A_571 : memref<128x128xf32, #tpu.memory_space<vmem>>)
      %sub3A_578 = arith.constant 2 : i32
      %sub3A_579 = arith.subi %add3A_535, %sub3A_578 : i32
      %mul3A_580 = arith.constant 128 : i32
      %mul3A_581 = arith.muli %sub3A_579, %mul3A_580 : i32
      %add3A_582 = arith.addi %mul3A_2, %mul3A_581 : i32
      %dma_start3A_583 = arith.constant 2 : i32
      %dma_start3A_584 = arith.constant 0 : i32
      %dma_start3A_585 = arith.constant 0 : i32
      %dma_start3A_586 = tpu.memref_slice %arg6[%dma_start3A_583, %dma_start3A_584, %dma_start3A_585] : memref<5x128x128xf32, #tpu.memory_space<vmem>> -> memref<1x128x128xf32, #tpu.memory_space<vmem>>
      %dma_start3A_587 = tpu.memref_squeeze %dma_start3A_586 : memref<1x128x128xf32, #tpu.memory_space<vmem>> -> memref<128x128xf32, #tpu.memory_space<vmem>>
      %dma_start3A_588 = arith.constant 0 : i32
      %dma_start3A_589 = tpu.memref_slice %arg4[%add3A_582, %dma_start3A_588] : memref<819200x128xf32, #tpu.memory_space<hbm>> -> memref<128x128xf32, #tpu.memory_space<hbm>>
      %dma_start3A_590 = arith.constant 0 : i32
      %dma_start3A_591 = tpu.memref_slice %arg4[%add3A_582, %dma_start3A_590] : memref<819200x128xf32, #tpu.memory_space<hbm>> -> memref<128x128xf32, #tpu.memory_space<hbm>>
      %dma_start3A_592 = arith.constant 0 : i32
      %dma_start3A_593 = arith.constant 0 : i32
      %dma_start3A_594 = tpu.memref_slice %arg6[%dma_start3A_583, %dma_start3A_592, %dma_start3A_593] : memref<5x128x128xf32, #tpu.memory_space<vmem>> -> memref<1x128x128xf32, #tpu.memory_space<vmem>>
      %dma_start3A_595 = tpu.memref_squeeze %dma_start3A_594 : memref<1x128x128xf32, #tpu.memory_space<vmem>> -> memref<128x128xf32, #tpu.memory_space<vmem>>
      tpu.enqueue_dma source(%dma_start3A_595 : memref<128x128xf32, #tpu.memory_space<vmem>>) target(%dma_start3A_591 : memref<128x128xf32, #tpu.memory_space<hbm>>) target_semaphore(%arg15 : memref<!tpu.dma_semaphore, #tpu.memory_space<semaphore_mem>>)
    }
    %scan3A_152 = arith.constant 39 : i32
    %add3A_153 = arith.constant 24960 : i32
    %add3A_154 = arith.addi %mul3A_2, %add3A_153 : i32
    %dma_wait3A_155 = arith.constant 0 : i32
    %dma_wait3A_156 = arith.constant 0 : i32
    %dma_wait3A_157 = arith.constant 0 : i32
    %dma_wait3A_158 = tpu.memref_slice %arg6[%dma_wait3A_155, %dma_wait3A_156, %dma_wait3A_157] : memref<5x128x128xf32, #tpu.memory_space<vmem>> -> memref<1x128x128xf32, #tpu.memory_space<vmem>>
    %dma_wait3A_159 = tpu.memref_squeeze %dma_wait3A_158 : memref<1x128x128xf32, #tpu.memory_space<vmem>> -> memref<128x128xf32, #tpu.memory_space<vmem>>
    %dma_wait3A_160 = arith.constant 0 : i32
    %dma_wait3A_161 = tpu.memref_slice %arg4[%add3A_154, %dma_wait3A_160] : memref<819200x128xf32, #tpu.memory_space<hbm>> -> memref<128x128xf32, #tpu.memory_space<hbm>>
    %dma_wait3A_162 = arith.constant 0 : i32
    %dma_wait3A_163 = tpu.memref_slice %arg4[%add3A_154, %dma_wait3A_162] : memref<819200x128xf32, #tpu.memory_space<hbm>> -> memref<128x128xf32, #tpu.memory_space<hbm>>
    %dma_wait3A_164 = arith.constant 0 : i32
    %dma_wait3A_165 = arith.constant 0 : i32
    %dma_wait3A_166 = tpu.memref_slice %arg6[%dma_wait3A_155, %dma_wait3A_164, %dma_wait3A_165] : memref<5x128x128xf32, #tpu.memory_space<vmem>> -> memref<1x128x128xf32, #tpu.memory_space<vmem>>
    %dma_wait3A_167 = tpu.memref_squeeze %dma_wait3A_166 : memref<1x128x128xf32, #tpu.memory_space<vmem>> -> memref<128x128xf32, #tpu.memory_space<vmem>>
    tpu.wait_dma2 semaphore(%arg13 : memref<!tpu.dma_semaphore, #tpu.memory_space<semaphore_mem>>) src(%dma_wait3A_167 : memref<128x128xf32, #tpu.memory_space<vmem>>) dst(%dma_wait3A_163 : memref<128x128xf32, #tpu.memory_space<hbm>>)
    %dma_wait3A_168 = arith.constant 198 : i32
    %dma_wait3A_169 = arith.constant 3 : i32
    %dma_wait3A_170 = arith.constant 0 : i32
    %dma_wait3A_171 = arith.constant 0 : i32
    %dma_wait3A_172 = tpu.memref_slice %arg6[%dma_wait3A_169, %dma_wait3A_170, %dma_wait3A_171] : memref<5x128x128xf32, #tpu.memory_space<vmem>> -> memref<1x128x128xf32, #tpu.memory_space<vmem>>
    %dma_wait3A_173 = tpu.memref_squeeze %dma_wait3A_172 : memref<1x128x128xf32, #tpu.memory_space<vmem>> -> memref<128x128xf32, #tpu.memory_space<vmem>>
    %dma_wait3A_174 = arith.constant 0 : i32
    %dma_wait3A_175 = tpu.memref_slice %arg5[%dma_wait3A_168, %dma_wait3A_174] : memref<200x128xi32, #tpu.memory_space<vmem>> -> memref<1x128xi32, #tpu.memory_space<vmem>>
    %dma_wait3A_176 = tpu.memref_squeeze %dma_wait3A_175 : memref<1x128xi32, #tpu.memory_space<vmem>> -> memref<128xi32, #tpu.memory_space<vmem>>
    %dma_wait3A_177 = arith.constant 0 : i32
    %dma_wait3A_178 = arith.constant 0 : i32
    %dma_wait3A_179 = tpu.memref_slice %arg7[%dma_wait3A_177, %dma_wait3A_178] : memref<2048x128xf32, #tpu.memory_space<vmem_shared>> -> memref<2048x128xf32, #tpu.memory_space<vmem_shared>>
    tpu.wait_indirect_dma semaphore(%arg11 : memref<!tpu.dma_semaphore, #tpu.memory_space<semaphore_mem>>) src(%dma_wait3A_179 : memref<2048x128xf32, #tpu.memory_space<vmem_shared>>) dst(%dma_wait3A_173 : memref<128x128xf32, #tpu.memory_space<vmem>>)
    %add3A_180 = arith.constant 25344 : i32
    %add3A_181 = arith.addi %mul3A_2, %add3A_180 : i32
    %dma_start3A_182 = arith.constant 3 : i32
    %dma_start3A_183 = arith.constant 0 : i32
    %dma_start3A_184 = arith.constant 0 : i32
    %dma_start3A_185 = tpu.memref_slice %arg6[%dma_start3A_182, %dma_start3A_183, %dma_start3A_184] : memref<5x128x128xf32, #tpu.memory_space<vmem>> -> memref<1x128x128xf32, #tpu.memory_space<vmem>>
    %dma_start3A_186 = tpu.memref_squeeze %dma_start3A_185 : memref<1x128x128xf32, #tpu.memory_space<vmem>> -> memref<128x128xf32, #tpu.memory_space<vmem>>
    %dma_start3A_187 = arith.constant 0 : i32
    %dma_start3A_188 = tpu.memref_slice %arg4[%add3A_181, %dma_start3A_187] : memref<819200x128xf32, #tpu.memory_space<hbm>> -> memref<128x128xf32, #tpu.memory_space<hbm>>
    %dma_start3A_189 = arith.constant 0 : i32
    %dma_start3A_190 = tpu.memref_slice %arg4[%add3A_181, %dma_start3A_189] : memref<819200x128xf32, #tpu.memory_space<hbm>> -> memref<128x128xf32, #tpu.memory_space<hbm>>
    %dma_start3A_191 = arith.constant 0 : i32
    %dma_start3A_192 = arith.constant 0 : i32
    %dma_start3A_193 = tpu.memref_slice %arg6[%dma_start3A_182, %dma_start3A_191, %dma_start3A_192] : memref<5x128x128xf32, #tpu.memory_space<vmem>> -> memref<1x128x128xf32, #tpu.memory_space<vmem>>
    %dma_start3A_194 = tpu.memref_squeeze %dma_start3A_193 : memref<1x128x128xf32, #tpu.memory_space<vmem>> -> memref<128x128xf32, #tpu.memory_space<vmem>>
    tpu.enqueue_dma source(%dma_start3A_194 : memref<128x128xf32, #tpu.memory_space<vmem>>) target(%dma_start3A_190 : memref<128x128xf32, #tpu.memory_space<hbm>>) target_semaphore(%arg16 : memref<!tpu.dma_semaphore, #tpu.memory_space<semaphore_mem>>)
    %add3A_195 = arith.constant 25088 : i32
    %add3A_196 = arith.addi %mul3A_2, %add3A_195 : i32
    %dma_wait3A_197 = arith.constant 1 : i32
    %dma_wait3A_198 = arith.constant 0 : i32
    %dma_wait3A_199 = arith.constant 0 : i32
    %dma_wait3A_200 = tpu.memref_slice %arg6[%dma_wait3A_197, %dma_wait3A_198, %dma_wait3A_199] : memref<5x128x128xf32, #tpu.memory_space<vmem>> -> memref<1x128x128xf32, #tpu.memory_space<vmem>>
    %dma_wait3A_201 = tpu.memref_squeeze %dma_wait3A_200 : memref<1x128x128xf32, #tpu.memory_space<vmem>> -> memref<128x128xf32, #tpu.memory_space<vmem>>
    %dma_wait3A_202 = arith.constant 0 : i32
    %dma_wait3A_203 = tpu.memref_slice %arg4[%add3A_196, %dma_wait3A_202] : memref<819200x128xf32, #tpu.memory_space<hbm>> -> memref<128x128xf32, #tpu.memory_space<hbm>>
    %dma_wait3A_204 = arith.constant 0 : i32
    %dma_wait3A_205 = tpu.memref_slice %arg4[%add3A_196, %dma_wait3A_204] : memref<819200x128xf32, #tpu.memory_space<hbm>> -> memref<128x128xf32, #tpu.memory_space<hbm>>
    %dma_wait3A_206 = arith.constant 0 : i32
    %dma_wait3A_207 = arith.constant 0 : i32
    %dma_wait3A_208 = tpu.memref_slice %arg6[%dma_wait3A_197, %dma_wait3A_206, %dma_wait3A_207] : memref<5x128x128xf32, #tpu.memory_space<vmem>> -> memref<1x128x128xf32, #tpu.memory_space<vmem>>
    %dma_wait3A_209 = tpu.memref_squeeze %dma_wait3A_208 : memref<1x128x128xf32, #tpu.memory_space<vmem>> -> memref<128x128xf32, #tpu.memory_space<vmem>>
    tpu.wait_dma2 semaphore(%arg14 : memref<!tpu.dma_semaphore, #tpu.memory_space<semaphore_mem>>) src(%dma_wait3A_209 : memref<128x128xf32, #tpu.memory_space<vmem>>) dst(%dma_wait3A_205 : memref<128x128xf32, #tpu.memory_space<hbm>>)
    %dma_wait3A_210 = arith.constant 199 : i32
    %dma_wait3A_211 = arith.constant 4 : i32
    %dma_wait3A_212 = arith.constant 0 : i32
    %dma_wait3A_213 = arith.constant 0 : i32
    %dma_wait3A_214 = tpu.memref_slice %arg6[%dma_wait3A_211, %dma_wait3A_212, %dma_wait3A_213] : memref<5x128x128xf32, #tpu.memory_space<vmem>> -> memref<1x128x128xf32, #tpu.memory_space<vmem>>
    %dma_wait3A_215 = tpu.memref_squeeze %dma_wait3A_214 : memref<1x128x128xf32, #tpu.memory_space<vmem>> -> memref<128x128xf32, #tpu.memory_space<vmem>>
    %dma_wait3A_216 = arith.constant 0 : i32
    %dma_wait3A_217 = tpu.memref_slice %arg5[%dma_wait3A_210, %dma_wait3A_216] : memref<200x128xi32, #tpu.memory_space<vmem>> -> memref<1x128xi32, #tpu.memory_space<vmem>>
    %dma_wait3A_218 = tpu.memref_squeeze %dma_wait3A_217 : memref<1x128xi32, #tpu.memory_space<vmem>> -> memref<128xi32, #tpu.memory_space<vmem>>
    %dma_wait3A_219 = arith.constant 0 : i32
    %dma_wait3A_220 = arith.constant 0 : i32
    %dma_wait3A_221 = tpu.memref_slice %arg7[%dma_wait3A_219, %dma_wait3A_220] : memref<2048x128xf32, #tpu.memory_space<vmem_shared>> -> memref<2048x128xf32, #tpu.memory_space<vmem_shared>>
    tpu.wait_indirect_dma semaphore(%arg12 : memref<!tpu.dma_semaphore, #tpu.memory_space<semaphore_mem>>) src(%dma_wait3A_221 : memref<2048x128xf32, #tpu.memory_space<vmem_shared>>) dst(%dma_wait3A_215 : memref<128x128xf32, #tpu.memory_space<vmem>>)
    %add3A_222 = arith.constant 25472 : i32
    %add3A_223 = arith.addi %mul3A_2, %add3A_222 : i32
    %dma_start3A_224 = arith.constant 4 : i32
    %dma_start3A_225 = arith.constant 0 : i32
    %dma_start3A_226 = arith.constant 0 : i32
    %dma_start3A_227 = tpu.memref_slice %arg6[%dma_start3A_224, %dma_start3A_225, %dma_start3A_226] : memref<5x128x128xf32, #tpu.memory_space<vmem>> -> memref<1x128x128xf32, #tpu.memory_space<vmem>>
    %dma_start3A_228 = tpu.memref_squeeze %dma_start3A_227 : memref<1x128x128xf32, #tpu.memory_space<vmem>> -> memref<128x128xf32, #tpu.memory_space<vmem>>
    %dma_start3A_229 = arith.constant 0 : i32
    %dma_start3A_230 = tpu.memref_slice %arg4[%add3A_223, %dma_start3A_229] : memref<819200x128xf32, #tpu.memory_space<hbm>> -> memref<128x128xf32, #tpu.memory_space<hbm>>
    %dma_start3A_231 = arith.constant 0 : i32
    %dma_start3A_232 = tpu.memref_slice %arg4[%add3A_223, %dma_start3A_231] : memref<819200x128xf32, #tpu.memory_space<hbm>> -> memref<128x128xf32, #tpu.memory_space<hbm>>
    %dma_start3A_233 = arith.constant 0 : i32
    %dma_start3A_234 = arith.constant 0 : i32
    %dma_start3A_235 = tpu.memref_slice %arg6[%dma_start3A_224, %dma_start3A_233, %dma_start3A_234] : memref<5x128x128xf32, #tpu.memory_space<vmem>> -> memref<1x128x128xf32, #tpu.memory_space<vmem>>
    %dma_start3A_236 = tpu.memref_squeeze %dma_start3A_235 : memref<1x128x128xf32, #tpu.memory_space<vmem>> -> memref<128x128xf32, #tpu.memory_space<vmem>>
    tpu.enqueue_dma source(%dma_start3A_236 : memref<128x128xf32, #tpu.memory_space<vmem>>) target(%dma_start3A_232 : memref<128x128xf32, #tpu.memory_space<hbm>>) target_semaphore(%arg17 : memref<!tpu.dma_semaphore, #tpu.memory_space<semaphore_mem>>)
    %add3A_237 = arith.constant 25216 : i32
    %add3A_238 = arith.addi %mul3A_2, %add3A_237 : i32
    %dma_wait3A_239 = arith.constant 2 : i32
    %dma_wait3A_240 = arith.constant 0 : i32
    %dma_wait3A_241 = arith.constant 0 : i32
    %dma_wait3A_242 = tpu.memref_slice %arg6[%dma_wait3A_239, %dma_wait3A_240, %dma_wait3A_241] : memref<5x128x128xf32, #tpu.memory_space<vmem>> -> memref<1x128x128xf32, #tpu.memory_space<vmem>>
    %dma_wait3A_243 = tpu.memref_squeeze %dma_wait3A_242 : memref<1x128x128xf32, #tpu.memory_space<vmem>> -> memref<128x128xf32, #tpu.memory_space<vmem>>
    %dma_wait3A_244 = arith.constant 0 : i32
    %dma_wait3A_245 = tpu.memref_slice %arg4[%add3A_238, %dma_wait3A_244] : memref<819200x128xf32, #tpu.memory_space<hbm>> -> memref<128x128xf32, #tpu.memory_space<hbm>>
    %dma_wait3A_246 = arith.constant 0 : i32
    %dma_wait3A_247 = tpu.memref_slice %arg4[%add3A_238, %dma_wait3A_246] : memref<819200x128xf32, #tpu.memory_space<hbm>> -> memref<128x128xf32, #tpu.memory_space<hbm>>
    %dma_wait3A_248 = arith.constant 0 : i32
    %dma_wait3A_249 = arith.constant 0 : i32
    %dma_wait3A_250 = tpu.memref_slice %arg6[%dma_wait3A_239, %dma_wait3A_248, %dma_wait3A_249] : memref<5x128x128xf32, #tpu.memory_space<vmem>> -> memref<1x128x128xf32, #tpu.memory_space<vmem>>
    %dma_wait3A_251 = tpu.memref_squeeze %dma_wait3A_250 : memref<1x128x128xf32, #tpu.memory_space<vmem>> -> memref<128x128xf32, #tpu.memory_space<vmem>>
    tpu.wait_dma2 semaphore(%arg15 : memref<!tpu.dma_semaphore, #tpu.memory_space<semaphore_mem>>) src(%dma_wait3A_251 : memref<128x128xf32, #tpu.memory_space<vmem>>) dst(%dma_wait3A_247 : memref<128x128xf32, #tpu.memory_space<hbm>>)
    %add3A_252 = arith.constant 25344 : i32
    %add3A_253 = arith.addi %mul3A_2, %add3A_252 : i32
    %dma_wait3A_254 = arith.constant 3 : i32
    %dma_wait3A_255 = arith.constant 0 : i32
    %dma_wait3A_256 = arith.constant 0 : i32
    %dma_wait3A_257 = tpu.memref_slice %arg6[%dma_wait3A_254, %dma_wait3A_255, %dma_wait3A_256] : memref<5x128x128xf32, #tpu.memory_space<vmem>> -> memref<1x128x128xf32, #tpu.memory_space<vmem>>
    %dma_wait3A_258 = tpu.memref_squeeze %dma_wait3A_257 : memref<1x128x128xf32, #tpu.memory_space<vmem>> -> memref<128x128xf32, #tpu.memory_space<vmem>>
    %dma_wait3A_259 = arith.constant 0 : i32
    %dma_wait3A_260 = tpu.memref_slice %arg4[%add3A_253, %dma_wait3A_259] : memref<819200x128xf32, #tpu.memory_space<hbm>> -> memref<128x128xf32, #tpu.memory_space<hbm>>
    %dma_wait3A_261 = arith.constant 0 : i32
    %dma_wait3A_262 = tpu.memref_slice %arg4[%add3A_253, %dma_wait3A_261] : memref<819200x128xf32, #tpu.memory_space<hbm>> -> memref<128x128xf32, #tpu.memory_space<hbm>>
    %dma_wait3A_263 = arith.constant 0 : i32
    %dma_wait3A_264 = arith.constant 0 : i32
    %dma_wait3A_265 = tpu.memref_slice %arg6[%dma_wait3A_254, %dma_wait3A_263, %dma_wait3A_264] : memref<5x128x128xf32, #tpu.memory_space<vmem>> -> memref<1x128x128xf32, #tpu.memory_space<vmem>>
    %dma_wait3A_266 = tpu.memref_squeeze %dma_wait3A_265 : memref<1x128x128xf32, #tpu.memory_space<vmem>> -> memref<128x128xf32, #tpu.memory_space<vmem>>
    tpu.wait_dma2 semaphore(%arg16 : memref<!tpu.dma_semaphore, #tpu.memory_space<semaphore_mem>>) src(%dma_wait3A_266 : memref<128x128xf32, #tpu.memory_space<vmem>>) dst(%dma_wait3A_262 : memref<128x128xf32, #tpu.memory_space<hbm>>)
    %add3A_267 = arith.constant 25472 : i32
    %add3A_268 = arith.addi %mul3A_2, %add3A_267 : i32
    %dma_wait3A_269 = arith.constant 4 : i32
    %dma_wait3A_270 = arith.constant 0 : i32
    %dma_wait3A_271 = arith.constant 0 : i32
    %dma_wait3A_272 = tpu.memref_slice %arg6[%dma_wait3A_269, %dma_wait3A_270, %dma_wait3A_271] : memref<5x128x128xf32, #tpu.memory_space<vmem>> -> memref<1x128x128xf32, #tpu.memory_space<vmem>>
    %dma_wait3A_273 = tpu.memref_squeeze %dma_wait3A_272 : memref<1x128x128xf32, #tpu.memory_space<vmem>> -> memref<128x128xf32, #tpu.memory_space<vmem>>
    %dma_wait3A_274 = arith.constant 0 : i32
    %dma_wait3A_275 = tpu.memref_slice %arg4[%add3A_268, %dma_wait3A_274] : memref<819200x128xf32, #tpu.memory_space<hbm>> -> memref<128x128xf32, #tpu.memory_space<hbm>>
    %dma_wait3A_276 = arith.constant 0 : i32
    %dma_wait3A_277 = tpu.memref_slice %arg4[%add3A_268, %dma_wait3A_276] : memref<819200x128xf32, #tpu.memory_space<hbm>> -> memref<128x128xf32, #tpu.memory_space<hbm>>
    %dma_wait3A_278 = arith.constant 0 : i32
    %dma_wait3A_279 = arith.constant 0 : i32
    %dma_wait3A_280 = tpu.memref_slice %arg6[%dma_wait3A_269, %dma_wait3A_278, %dma_wait3A_279] : memref<5x128x128xf32, #tpu.memory_space<vmem>> -> memref<1x128x128xf32, #tpu.memory_space<vmem>>
    %dma_wait3A_281 = tpu.memref_squeeze %dma_wait3A_280 : memref<1x128x128xf32, #tpu.memory_space<vmem>> -> memref<128x128xf32, #tpu.memory_space<vmem>>
    tpu.wait_dma2 semaphore(%arg17 : memref<!tpu.dma_semaphore, #tpu.memory_space<semaphore_mem>>) src(%dma_wait3A_281 : memref<128x128xf32, #tpu.memory_space<vmem>>) dst(%dma_wait3A_277 : memref<128x128xf32, #tpu.memory_space<hbm>>)
    return
  }
}

</mosaic_0001>

<sc_bundles>
// kernel: kernel.3.cloned.1.call-start
scs
__scs_entry_jumppad:
0x0: {  	(pc) =	sbr.rel $0x88, $3  }
0x1: {  	(tag) =	ssettag $0x0;
	lr =	simm.s32 $0x1  }
0x2: {  	[smem:$0x3F9F] =	sst lr;
	_ =	strace $0xD0000000  }
0x3: {  	_ = 	snop  }
0x4: {  	_ = 	snop  }
0x5: {  	_ = 	snop  }
0x6: {  	_ = 	snop  }
0x7: {  	_ = 	snop  }
__scs_overlays_trampoline_lowered:
0x8: {  	[smem:$0x3FAE] =	sst s0  }
0x9: {  	[smem:$0x3FAF] =	sst s1  }
0xa: {  	[smem:$0x3FB0] =	sst s2  }
0xb: {  	[smem:$0x3FB1] =	sst s3  }
0xc: {  	[smem:$0x3FB2] =	sst s4  }
0xd: {  	[smem:$0x3FB3] =	sst s5  }
0xe: {  	[smem:$0x3FB4] =	sst s6  }
0xf: {  	[smem:$0x3FB5] =	sst s7  }
0x10: {  	[smem:$0x3FB6] =	sst s8  }
0x11: {  	[smem:$0x3FB7] =	sst s9;
	s0 =	simm.s32 @!p0 $0x0  }
0x12: {  	s1 =	sld [smem:$0x3F9D];
	s0 =	simm.s32 @p0 $0x1  }
0x13: {  	[smem:$0x3FB8] =	sst s0;
	s0 =	simm.s32 @!p1 $0x0  }
0x14: {  	s2 =	sld [smem:$0x3F9C];
	s0 =	simm.s32 @p1 $0x1  }
0x15: {  	[smem:$0x3FB9] =	sst s0;
	s0 =	simm.s32 @!p2 $0x0  }
0x16: {  	s3 =	sld [smem:$0x3FDB];
	s0 =	simm.s32 @p2 $0x1  }
0x17: {  	s4 =	simm.s32 $0x1BF5;
	[smem:$0x3FBB] =	sst s0  }
0x18: {  	s0 =	sld [smem:$0x3F9E];
	_ =	swait.ge [sflag:s4], $0x0  }
0x19: {  	s7 =	sld [smem:$0x3F9F]  }
0x1a: {  	s8 =	sadd.s32 $0xFFFFE003, lr  }
0x1b: {  	s9 =	sadd.s32 $0xFFFFFEF7, lr;
	s5 =	simm.s32 $0xFFFFFFFF;
	p2 =	slt.u32 s8, $0xFFFFF086  }
0x1c: {  	p1 =	slt.u32 s9, $0xF7A;
	s5 =	simm.s32 @!p2 $0x0  }
0x1d: {  	s5 =	simm.s32 @p1 $0x1;
	p0 =	seq.s32 s7, s2  }
0x1e: {  	s7 =	smul.u32 @!p0 $0xF7A, s2;
	p2 =	seq.s32 @!p0 s5, $0x0  }
0x1f: {  	s9 =	smul.u32 $0xF7A, s1;
	s8 =	simm.s32 @!p0 $0x1BF5;
	p2 =	por !p2, p0  }
0x20: {  	[sflag:s8] =	ssyncset.s32 @!p0 $0xFFFFF086;
	s6 =	sadd.s32 @!p0 s3, s7;
	s7 =	simm.s32 @!p0 $0x108  }
0x21: {  	s3 =	sadd.s32 s3, s9;
	s6 =	sadd.s32 @!p0 $0x88, s6;
	s7 =	simm.s32 @p2 $0x1082  }
0x22: {  	[simem:s7], [sflag:s8] =	dma.local @!p0 [hbm:s6], $0xF7A  }
0x23: {  	s9 =	sor.u32 $0xD0000000, s2;
	s6 =	simm.s32 $0x108;
	_ =	swait.ge @!p0 [sflag:s8], $0x0  }
0x24: {  	s3 =	sadd.s32 $0x88, s3;
	s6 =	simm.s32 @!p1 $0x1082;
	[sflag:s4] =	ssyncset.s32 $0xFFFFF086  }
0x25: {  	[simem:s6], [sflag:s4] =	dma.local [hbm:s3], $0xF7A  }
0x26: {  	[smem:$0x3F9F] =	sst s1;
	(tag) =	ssettag s2;
	_ =	strace s9  }
0x27: {  	s1 =	sld [smem:$0x3FAF]  }
0x28: {  	s2 =	sld [smem:$0x3FB0]  }
0x29: {  	s4 =	sld [smem:$0x3FB2]  }
0x2a: {  	p0 =	seq.s32 s5, $0x0;
	s5 =	sld [smem:$0x3FB3]  }
0x2b: {  	s6 =	sld [smem:$0x3FB4]  }
0x2c: {  	s7 =	sld [smem:$0x3FB5]  }
0x2d: {  	s3 =	simm.s32 $0x108;
	s8 =	sld [smem:$0x3FB6]  }
0x2e: {  	s3 =	simm.s32 @!p0 $0x1082;
	s9 =	sld [smem:$0x3FB7]  }
0x2f: {  	lr =	sadd.s32 s0, s3;
	s0 =	sld [smem:$0x3FAE]  }
0x30: {  	s3 =	sld [smem:$0x3FB1]  }
0x31: {  	[smem:$0x3FBA] =	sst s10  }
0x32: {  	s10 =	sld [smem:$0x3FB8];
	_ =	sdelay $0x3  }
0x33: {  	p0 =	seq.s32 s10, $0x1;
	s10 =	sld [smem:$0x3FBA];
	_ =	sdelay $0x3  }
0x34: {  	[smem:$0x3FBA] =	sst s10  }
0x35: {  	s10 =	sld [smem:$0x3FB9];
	_ =	sdelay $0x3  }
0x36: {  	p1 =	seq.s32 s10, $0x1;
	s10 =	sld [smem:$0x3FBA];
	_ =	sdelay $0x3  }
0x37: {  	[smem:$0x3FBA] =	sst s10  }
0x38: {  	s10 =	sld [smem:$0x3FBB]  }
0x39: {  	_ = 	snop;
	(pc) =	sbr.ind lr, $3  }
0x3a: {  	_ = 	snop  }
0x3b: {  	_ = 	snop  }
0x3c: {  	p2 =	seq.s32 s10, $0x1;
	s10 =	sld [smem:$0x3FBA]  }
0x3d: {  	_ =	shalt  }
0x3e: {  	_ =	shalt  }
0x3f: {  	_ =	shalt  }
0x40: {  	_ =	shalt  }
0x41: {  	_ =	shalt  }
0x42: {  	_ =	shalt  }
0x43: {  	_ =	shalt  }
0x44: {  	_ =	shalt  }
0x45: {  	_ =	shalt  }
0x46: {  	_ =	shalt  }
0x47: {  	_ =	shalt  }
0x48: {  	_ =	shalt  }
0x49: {  	_ =	shalt  }
0x4a: {  	_ =	shalt  }
0x4b: {  	_ =	shalt  }
0x4c: {  	_ =	shalt  }
0x4d: {  	_ =	shalt  }
0x4e: {  	_ =	shalt  }
0x4f: {  	_ =	shalt  }
0x50: {  	_ =	shalt  }
0x51: {  	_ =	shalt  }
0x52: {  	_ =	shalt  }
0x53: {  	_ =	shalt  }
0x54: {  	_ =	shalt  }
0x55: {  	_ =	shalt  }
0x56: {  	_ =	shalt  }
0x57: {  	_ =	shalt  }
0x58: {  	_ =	shalt  }
0x59: {  	_ =	shalt  }
0x5a: {  	_ =	shalt  }
0x5b: {  	_ =	shalt  }
0x5c: {  	_ =	shalt  }
0x5d: {  	_ =	shalt  }
0x5e: {  	_ =	shalt  }
0x5f: {  	_ =	shalt  }
0x60: {  	_ =	shalt  }
0x61: {  	_ =	shalt  }
0x62: {  	_ =	shalt  }
0x63: {  	_ =	shalt  }
0x64: {  	_ =	shalt  }
0x65: {  	_ =	shalt  }
0x66: {  	_ =	shalt  }
0x67: {  	_ =	shalt  }
0x68: {  	_ =	shalt  }
0x69: {  	_ =	shalt  }
0x6a: {  	_ =	shalt  }
0x6b: {  	_ =	shalt  }
0x6c: {  	_ =	shalt  }
0x6d: {  	_ =	shalt  }
0x6e: {  	_ =	shalt  }
0x6f: {  	_ =	shalt  }
0x70: {  	_ =	shalt  }
0x71: {  	_ =	shalt  }
0x72: {  	_ =	shalt  }
0x73: {  	_ =	shalt  }
0x74: {  	_ =	shalt  }
0x75: {  	_ =	shalt  }
0x76: {  	_ =	shalt  }
0x77: {  	_ =	shalt  }
0x78: {  	_ =	shalt  }
0x79: {  	_ =	shalt  }
0x7a: {  	_ =	shalt  }
0x7b: {  	_ =	shalt  }
0x7c: {  	_ =	shalt  }
0x7d: {  	_ =	shalt  }
0x7e: {  	_ =	shalt  }
0x7f: {  	_ =	shalt  }
0x80: {  	_ =	shalt  }
0x81: {  	_ =	shalt  }
0x82: {  	_ =	shalt  }
0x83: {  	_ =	shalt  }
0x84: {  	_ =	shalt  }
0x85: {  	_ =	shalt  }
0x86: {  	_ =	shalt  }
0x87: {  	_ =	shalt  }
.Lfunc_end0:
.L_simem_size_0:
called_computation_lowered:
.L_overlay_start_0:
0x88: {  	s2 =	sld [smem:$0x3FD9]  }
0x89: {  	s3 =	sld [smem:$0x3FFE];
	_ =	sdelay $0x1  }
0x8a: {  	s1 =	srdreg.scid  }
0x8b: {  	s0 =	sand.u32 $0x1, s1  }
0x8c: {  	s18 =	sshll.u32 s0, $0xA;
	s2 =	sadd.s32 s3, s2  }
0x8d: {  	s2 =	sadd.s32 s2, s18  }
0x8e: {  	[smem:$0x3FC6] =	sst s2  }
0x8f: {  	_ = 	snop  }
0x90: {  	s2 =	sld [smem:$0x3FC9]  }
0x91: {  	s19 =	sld [smem:$0x3FC8]  }
0x92: {  	s4 =	sld [smem:$0x3FD0];
	(tm) =	ssettm $0x1  }
0x93: {  	s5 =	sld [smem:$0x3FFB];
	_ =	sdelay $0x3  }
0x94: {  	_ =	strace s5  }
0x95: {  	s5 =	sld [smem:$0x3FFC];
	_ =	sdelay $0x3  }
0x96: {  	_ =	strace s5  }
0x97: {  	s5 =	sld [smem:$0x3FFD];
	_ =	sdelay $0x3  }
0x98: {  	_ =	strace s5  }
0x99: {  	_ =	strace $0x8FFFFFFF  }
0x9a: {  	s20 =	sld [smem:$0x3FDB];
	_ =	sdelay $0x1  }
0x9b: {  	s6 =	simm.s32 $_scs_section_size  }
0x9c: {  	s7 =	simm.s32 $_size__tile_overlayer_lowered;
	s8 =	simm.s32 $_tile_overlayer_lowered  }
0x9d: {  	s23 =	simm.s32 $0x1BFF;
	s22 =	sshll.u32 s8, $0x1;
	s5 =	sadd.s32 s6, s20  }
0x9e: {  	s9 =	simm.s32 $0x0;
	s21 =	sshll.u32 s7, $0x1;
	s7 =	sadd.s32 s22, s5  }
0x9f: {  	[timem:s9], [sflag:s23] =	dma.local [hbm:s7], s21  }
0xa0: {  	_ =	swait.ge [sflag:s23], s21  }
0xa1: {  	s6 =	ssub.s32 $0x0, s21;
	[sflag:s23] =	ssyncset.done $0x0  }
0xa2: {  	[sflag:s23] =	ssyncadd.s32 s6;
	_ =	sdelay $0x1  }
0xa3: {  	s24 =	simm.s32 $0x1B8B  }
0xa4: {  	_ =	swait.ge [sflag:s24], $0x1  }
0xa5: {  	[sflag:s24] =	ssyncset.done $0x0  }
0xa6: {  	s25 =	simm.s32 $0x1B8E;
	[sflag:s24] =	ssyncadd.s32 $0xFFFFFFFF  }
0xa7: {  	s26 =	simm.s32 $execute0_lowered;
	[smem:$0x3FD2] =	sst s25  }
0xa8: {  	s6 =	sshll.u32 s26, $0x1;
	_ =	strace $0x80000046;
	[dreg:$0x1] =	wrdreg $0xFFFFFFFF  }
0xa9: {  	s28 =	simm.s32 $_size_execute0_lowered;
	s5 =	sadd.s32 s5, s6;
	[dreg:$0x0] =	wrdreg $0x0  }
0xaa: {  	s6 =	sshll.u32 s28, $0x1;
	[dreg:$0x2] =	wrdreg s5  }
0xab: {  	[dreg:$0x3] =	wrdreg s6  }
0xac: {  	[dreg:$0x4] =	wrdreg $0xC0  }
0xad: {  	_ =	task [dreg:s9], $0x5FFFF  }
0xae: {  	[dreg:$0x1] =	wrdreg $0xFFFFFFFF  }
0xaf: {  	[dreg:$0x0] =	wrdreg $0x60  }
0xb0: {  	[dreg:$0x2] =	wrdreg s2  }
0xb1: {  	[dreg:$0x3] =	wrdreg s19  }
0xb2: {  	[dreg:$0x4] =	wrdreg s4  }
0xb3: {  	[dreg:$0x5] =	wrdreg $0x1A4000  }
0xb4: {  	[dreg:$0x6] =	wrdreg $0x9  }
0xb5: {  	_ =	task.clear_ibuf [dreg:s9], $0x7FFFF;
	_ =	strace $0x90000046  }
0xb6: {  	s29 =	simm.s32 $0x9;
	_ =	strace $0x80000048  }
0xb7: {  	_ =	swait.ge [sflag:s29], $0x1  }
0xb8: {  	[sflag:s29] =	ssyncadd.s32 $0xFFFFFFFF  }
0xb9: {  	_ =	strace $0x90000048  }
0xba: {  	_ =	sfence  }
0xbb: {  	s30 =	sld [smem:$0x0];
	_ =	sdelay $0x2  }
0xbc: {  	s31 =	sshll.u32 s1, $0xD;
	s1 =	sshrl.u32 s1, $0x2  }
0xbd: {  	s3 =	sand.u32 $0x4000, s31;
	s1 =	sadd.s32 s1, s30  }
0xbe: {  	s0 =	sor.u32 s3, s0;
	s1 =	sshll.u32 s1, $0x11  }
0xbf: {  	s0 =	sor.u32 s1, s0  }
0xc0: {  	s0 =	sadd.s32 $0x8F2B, s0  }
0xc1: {  	[sflag:s0] =	ssyncadd.remote.s32 $0x1  }
0xc2: {  	_ =	sfence.sel $0xFFFF  }
0xc3: {  	[dreg:$0x0] =	wrdreg $0xFFFFFFFF;
	(pc) =	sbr.abs _section_cstart, $3  }
0xc4: {  	[dreg:$0x1] =	wrdreg $0xFFFFFFFF  }
0xc5: {  	_ =	task.clear_ibuf [dreg:s9], $0x2FFFF;
	_ =	strace $0x9FFFFFFF  }
0xc6: {  	(tm) =	ssettm $0x7FFFFFFF  }
0xc7: {  	_ =	shalt  }
tec
execute0_lowered:
.L_overlay_start_1:
0x0: {  	(tag) =	ssettag $0x1  }
0x1: {  	s0 =	rddreg [dreg:$0x0]  }
0x2: {  	s2 =	rddreg [dreg:$0x1]  }
0x3: {  	s4 =	rddreg [dreg:$0x2]  }
0x4: {  	s1 =	rddreg [dreg:$0x3]  }
0x5: {  	s3 =	simm.s32 $0x0;
	s5 =	srdreg.scid;
	s12 =	stileid.u32  }
0x6: {  	s15 =	simm.s32 $0xB;
	s16 =	simm.s32 $0x80;
	s17 =	simm.s32 $0x6400  }
0x7: {  	s18 =	simm.s32 $0xA400;
	s28 =	simm.s32 $0x3;
	s29 =	simm.s32 $0x6  }
0x8: {  	s30 =	simm.s32 $0x4;
	s31 =	simm.s32 $0x7;
	s19 =	simm.s32 $0x9  }
0x9: {  	[smem:$0x7FF] =	sst s3;
	s5 =	sand.u32 $0x1, s5;
	s7 =	sshll.u32 s12, $0x1  }
0xa: {  	s9 =	sshll.u32 s12, $0xE;
	s21 =	sshll.u32 s12, $0xB;
	s10 =	sshll.u32 s12, $0x6  }
0xb: {  	s24 =	smul.u32 $0xC8000, s12;
	_ =	strace $0x80000047;
	s6 =	ssub.s32 $0x2, s5  }
0xc: {  	s7 =	sor.u32 s5, s7;
	s14 =	sadd.s32 s9, s1;
	s5 =	smul.u32 $0x64000, s5  }
0xd: {  	s0 =	sadd.s32 s0, s21;
	s22 =	sor.u32 $0x1C0B, s10;
	s20 =	smul.u32 $0xC80, s7  }
0xe: {  	s21 =	simm.s32 $0x1;
	s11 =	smul.u32 $0x64000, s7;
	[dreg:$0x5] =	wrdreg s0  }
0xf: {  	s8 =	sshrl.u32 s6, $0x1;
	[dreg:$0x6] =	wrdreg s22;
	s23 =	smul.u32 $0x320000, s7  }
0x10: {  	s14 =	sshrl.u32 s14, $0x3;
	s22 =	simm.s32 $0xA;
	s6 =	ssub.s32 s6, s8  }
0x11: {  	s2 =	sadd.s32 s2, s20;
	s7 =	sadd.s32 s4, s11;
	s0 =	sshrl.u32 s23, $0x3  }
0x12: {  	s12 =	smax.u32 s6, $0x1;
	s20 =	simm.s32 $0xE400;
	s23 =	simm.s32 $0x12400  }
0x13: {  	[dreg:$0x7] =	wrdreg s2;
	s25 =	sadd.s32 $0x800, s7;
	s9 =	sadd.s32 $0x1000, s7  }
0x14: {  	s0 =	sadd.s32 s4, s0;
	s2 =	sadd.s32 s24, s4;
	s24 =	simm.s32 $0x2  }
0x15: {  	[dreg:$0x8] =	wrdreg s25;
	s10 =	sadd.s32 $0x63000, s0;
	s11 =	sadd.s32 $0x63800, s0  }
0x16: {  	s26 =	sadd.s32 s5, s2;
	s0 =	simm.s32 $0x5;
	s2 =	simm.s32 $0x8  }
0x17: {  	s25 =	simm.s32 $0x0;
	s13 =	sadd.s32 $0x2000, s26;
	s26 =	simm.s32 $0x16400  }
.LBB2_1:
0x18: {  	s4 =	rddreg [dreg:$0x5]  }
0x19: {  	s5 =	rddreg [dreg:$0x6]  }
0x1a: {  	[spmem:s14], [sflag:s5] =	dma.local [hbm:s4], $0x800  }
0x1b: {  	_ =	swait.ge [sflag:s15], $0x800  }
0x1c: {  	[sflag:s15] =	ssyncset.done $0x0  }
0x1d: {  	s8 =	rddreg [dreg:$0x7];
	[sflag:s15] =	ssyncadd.s32 $0xFFFFF800  }
0x1e: {  	[tilespmem:s3], [sflag:$0xB] =	stream.linear.gather [hbm4b:s8+s3], $0x6400, $0x38;
	[tilespmem:$0x1E400] =	vst v63  }
0x1f: {  	_ =	swait.ge [sflag:s15], $0x6400  }
0x20: {  	[sflag:s15] =	ssyncset.done $0x0  }
0x21: {  	[sflag:s15] =	ssyncadd.s32 $0xFFFF9C00  }
0x22: {  	[bflag:$0x0] =	sbarrier.arrive $0xFFFF  }
0x23: {  	[tilespmem:s17], [sflag:$0x1] =	stream.indirect.gather [spmem:s1], $0x80, s3, s16, $0xb8;
	[tilespmem:$0x1E400] =	vst v63  }
0x24: {  	_ = 	snop  }
0x25: {  	[tilespmem:s18], [sflag:$0x2] =	stream.indirect.gather [spmem:s1], $0x80, s16, s16, $0xb8;
	[tilespmem:$0x1E400] =	vst v63  }
0x26: {  	s5 =	simm.s32 $0x100  }
0x27: {  	[tilespmem:s20], [sflag:$0x3] =	stream.indirect.gather [spmem:s1], $0x80, s5, s16, $0xb8;
	[tilespmem:$0x1E400] =	vst v63  }
0x28: {  	_ =	swait.ge [sflag:s21], $0x4000  }
0x29: {  	[sflag:s21] =	ssyncset.done $0x0  }
0x2a: {  	[sflag:s21] =	ssyncadd.s32 $0xFFFFC000  }
0x2b: {  	[hbm4b:s7+s3] =	stream.linear.scatter [tilespmem:s17], [sflag:$0x6], $0x4000, $0x38;
	[tilespmem:$0x1E400] =	vst v63  }
0x2c: {  	s6 =	simm.s32 $0x180  }
0x2d: {  	[tilespmem:s23], [sflag:$0x4] =	stream.indirect.gather [spmem:s1], $0x80, s6, s16, $0xb8;
	[tilespmem:$0x1E400] =	vst v63  }
0x2e: {  	_ =	swait.ge [sflag:s24], $0x4000  }
0x2f: {  	[sflag:s24] =	ssyncset.done $0x0  }
0x30: {  	s8 =	rddreg [dreg:$0x8];
	[sflag:s24] =	ssyncadd.s32 $0xFFFFC000  }
0x31: {  	[hbm4b:s8+s3] =	stream.linear.scatter [tilespmem:s18], [sflag:$0x7], $0x4000, $0x38;
	[tilespmem:$0x1E400] =	vst v63  }
0x32: {  	s5 =	simm.s32 $0x200  }
0x33: {  	[tilespmem:s26], [sflag:$0x5] =	stream.indirect.gather [spmem:s1], $0x80, s5, s16, $0xb8;
	[tilespmem:$0x1E400] =	vst v63  }
0x34: {  	_ =	swait.ge [sflag:s28], $0x4000  }
0x35: {  	[sflag:s28] =	ssyncset.done $0x0  }
0x36: {  	[sflag:s28] =	ssyncadd.s32 $0xFFFFC000  }
0x37: {  	[hbm4b:s9+s3] =	stream.linear.scatter [tilespmem:s20], [sflag:$0x8], $0x4000, $0x38;
	[tilespmem:$0x1E400] =	vst v63  }
0x38: {  	_ =	swait.ge [sflag:s29], $0x4000  }
0x39: {  	[sflag:s29] =	ssyncset.done $0x0  }
0x3a: {  	s6 =	simm.s32 $0x280;
	[sflag:s29] =	ssyncadd.s32 $0xFFFFC000  }
0x3b: {  	[tilespmem:s17], [sflag:$0x1] =	stream.indirect.gather [spmem:s1], $0x80, s6, s16, $0xb8;
	[tilespmem:$0x1E400] =	vst v63  }
0x3c: {  	_ =	swait.ge [sflag:s30], $0x4000  }
0x3d: {  	[sflag:s30] =	ssyncset.done $0x0  }
0x3e: {  	s8 =	sadd.s32 $0xFFFFF800, s13;
	[sflag:s30] =	ssyncadd.s32 $0xFFFFC000  }
0x3f: {  	[hbm4b:s8+s3] =	stream.linear.scatter [tilespmem:s23], [sflag:$0x9], $0x4000, $0x38;
	[tilespmem:$0x1E400] =	vst v63  }
0x40: {  	_ =	swait.ge [sflag:s31], $0x4000  }
0x41: {  	[sflag:s31] =	ssyncset.done $0x0  }
0x42: {  	s5 =	simm.s32 $0x300;
	[sflag:s31] =	ssyncadd.s32 $0xFFFFC000  }
0x43: {  	[tilespmem:s18], [sflag:$0x2] =	stream.indirect.gather [spmem:s1], $0x80, s5, s16, $0xb8;
	[tilespmem:$0x1E400] =	vst v63  }
0x44: {  	_ =	swait.ge [sflag:s0], $0x4000  }
0x45: {  	[sflag:s0] =	ssyncset.done $0x0  }
0x46: {  	[sflag:s0] =	ssyncadd.s32 $0xFFFFC000  }
0x47: {  	[hbm4b:s13+s3] =	stream.linear.scatter [tilespmem:s26], [sflag:$0xA], $0x4000, $0x38;
	[tilespmem:$0x1E400] =	vst v63  }
0x48: {  	_ =	swait.ge [sflag:s2], $0x4000  }
0x49: {  	[sflag:s2] =	ssyncset.done $0x0  }
0x4a: {  	s6 =	simm.s32 $0x380;
	[sflag:s2] =	ssyncadd.s32 $0xFFFFC000  }
0x4b: {  	[tilespmem:s20], [sflag:$0x3] =	stream.indirect.gather [spmem:s1], $0x80, s6, s16, $0xb8;
	[tilespmem:$0x1E400] =	vst v63  }
0x4c: {  	_ =	swait.ge [sflag:s21], $0x4000  }
0x4d: {  	[sflag:s21] =	ssyncset.done $0x0  }
0x4e: {  	s8 =	sadd.s32 $0x800, s13;
	[sflag:s21] =	ssyncadd.s32 $0xFFFFC000  }
0x4f: {  	[hbm4b:s8+s3] =	stream.linear.scatter [tilespmem:s17], [sflag:$0x6], $0x4000, $0x38;
	[tilespmem:$0x1E400] =	vst v63  }
0x50: {  	_ =	swait.ge [sflag:s19], $0x4000  }
0x51: {  	[sflag:s19] =	ssyncset.done $0x0  }
0x52: {  	s5 =	simm.s32 $0x400;
	[sflag:s19] =	ssyncadd.s32 $0xFFFFC000  }
0x53: {  	[tilespmem:s23], [sflag:$0x4] =	stream.indirect.gather [spmem:s1], $0x80, s5, s16, $0xb8;
	[tilespmem:$0x1E400] =	vst v63  }
0x54: {  	_ =	swait.ge [sflag:s24], $0x4000  }
0x55: {  	[sflag:s24] =	ssyncset.done $0x0  }
0x56: {  	s6 =	sadd.s32 $0x1000, s13;
	[sflag:s24] =	ssyncadd.s32 $0xFFFFC000  }
0x57: {  	[hbm4b:s6+s3] =	stream.linear.scatter [tilespmem:s18], [sflag:$0x7], $0x4000, $0x38;
	[tilespmem:$0x1E400] =	vst v63  }
0x58: {  	_ =	swait.ge [sflag:s22], $0x4000  }
0x59: {  	[sflag:s22] =	ssyncset.done $0x0  }
0x5a: {  	s8 =	simm.s32 $0x480;
	[sflag:s22] =	ssyncadd.s32 $0xFFFFC000  }
0x5b: {  	[tilespmem:s26], [sflag:$0x5] =	stream.indirect.gather [spmem:s1], $0x80, s8, s16, $0xb8;
	[tilespmem:$0x1E400] =	vst v63  }
0x5c: {  	_ =	swait.ge [sflag:s28], $0x4000  }
0x5d: {  	s4 =	simm.s32 $0xA00;
	[sflag:s28] =	ssyncset.done $0x0  }
0x5e: {  	s5 =	sadd.s32 $0x2800, s13;
	s6 =	sadd.s32 $0x1800, s13;
	[sflag:s28] =	ssyncadd.s32 $0xFFFFC000  }
.LBB2_2:
0x5f: {  	[hbm4b:s6+s3] =	stream.linear.scatter [tilespmem:s20], [sflag:$0x8], $0x4000, $0x38;
	[tilespmem:$0x1E400] =	vst v63  }
0x60: {  	s6 =	smov.u32 s4  }
0x61: {  	p0 =	sne.s32 s4, $0x17C00;
	s4 =	sadd.s32 $0xA00, s4;
	_ =	swait.ge [sflag:s29], $0x4000  }
0x62: {  	s6 =	sshra.s32 s6, $0x2;
	[sflag:s29] =	ssyncset.done $0x0  }
0x63: {  	s8 =	sadd.s32 $0x280, s6;
	[sflag:s29] =	ssyncadd.s32 $0xFFFFC000  }
0x64: {  	[tilespmem:s17], [sflag:$0x1] =	stream.indirect.gather [spmem:s1], $0x80, s8, s16, $0xb8;
	[tilespmem:$0x1E400] =	vst v63  }
0x65: {  	_ =	swait.ge [sflag:s30], $0x4000  }
0x66: {  	[sflag:s30] =	ssyncset.done $0x0  }
0x67: {  	s8 =	sadd.s32 $0xFFFFF800, s5;
	[sflag:s30] =	ssyncadd.s32 $0xFFFFC000  }
0x68: {  	[hbm4b:s8+s3] =	stream.linear.scatter [tilespmem:s23], [sflag:$0x9], $0x4000, $0x38;
	[tilespmem:$0x1E400] =	vst v63  }
0x69: {  	_ =	swait.ge [sflag:s31], $0x4000  }
0x6a: {  	[sflag:s31] =	ssyncset.done $0x0  }
0x6b: {  	s8 =	sadd.s32 $0x300, s6;
	[sflag:s31] =	ssyncadd.s32 $0xFFFFC000  }
0x6c: {  	[tilespmem:s18], [sflag:$0x2] =	stream.indirect.gather [spmem:s1], $0x80, s8, s16, $0xb8;
	[tilespmem:$0x1E400] =	vst v63  }
0x6d: {  	_ =	swait.ge [sflag:s0], $0x4000  }
0x6e: {  	[sflag:s0] =	ssyncset.done $0x0  }
0x6f: {  	[sflag:s0] =	ssyncadd.s32 $0xFFFFC000  }
0x70: {  	[hbm4b:s5+s3] =	stream.linear.scatter [tilespmem:s26], [sflag:$0xA], $0x4000, $0x38;
	[tilespmem:$0x1E400] =	vst v63  }
0x71: {  	_ =	swait.ge [sflag:s2], $0x4000  }
0x72: {  	[sflag:s2] =	ssyncset.done $0x0  }
0x73: {  	s8 =	sadd.s32 $0x380, s6;
	[sflag:s2] =	ssyncadd.s32 $0xFFFFC000  }
0x74: {  	[tilespmem:s20], [sflag:$0x3] =	stream.indirect.gather [spmem:s1], $0x80, s8, s16, $0xb8;
	[tilespmem:$0x1E400] =	vst v63  }
0x75: {  	_ =	swait.ge [sflag:s21], $0x4000  }
0x76: {  	[sflag:s21] =	ssyncset.done $0x0  }
0x77: {  	s8 =	sadd.s32 $0x800, s5;
	[sflag:s21] =	ssyncadd.s32 $0xFFFFC000  }
0x78: {  	[hbm4b:s8+s3] =	stream.linear.scatter [tilespmem:s17], [sflag:$0x6], $0x4000, $0x38;
	[tilespmem:$0x1E400] =	vst v63  }
0x79: {  	_ =	swait.ge [sflag:s19], $0x4000  }
0x7a: {  	[sflag:s19] =	ssyncset.done $0x0  }
0x7b: {  	s8 =	sadd.s32 $0x400, s6;
	[sflag:s19] =	ssyncadd.s32 $0xFFFFC000  }
0x7c: {  	[tilespmem:s23], [sflag:$0x4] =	stream.indirect.gather [spmem:s1], $0x80, s8, s16, $0xb8;
	[tilespmem:$0x1E400] =	vst v63  }
0x7d: {  	_ =	swait.ge [sflag:s24], $0x4000  }
0x7e: {  	[sflag:s24] =	ssyncset.done $0x0  }
0x7f: {  	s8 =	sadd.s32 $0x1000, s5;
	[sflag:s24] =	ssyncadd.s32 $0xFFFFC000  }
0x80: {  	[hbm4b:s8+s3] =	stream.linear.scatter [tilespmem:s18], [sflag:$0x7], $0x4000, $0x38;
	[tilespmem:$0x1E400] =	vst v63  }
0x81: {  	_ =	swait.ge [sflag:s22], $0x4000  }
0x82: {  	[sflag:s22] =	ssyncset.done $0x0  }
.Ltmp0:
0x83: {  	s6 =	sadd.s32 $0x480, s6;
	[sflag:s22] =	ssyncadd.s32 $0xFFFFC000;
	(pc) =	sbr.rel @p0 .LBB2_2-.Ltmp0, $4  }
0x84: {  	[tilespmem:s26], [sflag:$0x5] =	stream.indirect.gather [spmem:s1], $0x80, s6, s16, $0xb8;
	[tilespmem:$0x1E400] =	vst v63  }
0x85: {  	_ =	swait.ge [sflag:s28], $0x4000  }
0x86: {  	[sflag:s28] =	ssyncset.done $0x0  }
0x87: {  	s6 =	sadd.s32 $0x1800, s5;
	s5 =	sadd.s32 $0x2800, s5;
	[sflag:s28] =	ssyncadd.s32 $0xFFFFC000  }
0x88: {  	[hbm4b:s6+s3] =	stream.linear.scatter [tilespmem:s20], [sflag:$0x8], $0x4000, $0x38;
	[tilespmem:$0x1E400] =	vst v63  }
0x89: {  	_ =	swait.ge [sflag:s29], $0x4000  }
0x8a: {  	[sflag:s29] =	ssyncset.done $0x0  }
0x8b: {  	[sflag:s29] =	ssyncadd.s32 $0xFFFFC000  }
0x8c: {  	_ =	swait.ge [sflag:s30], $0x4000  }
0x8d: {  	[sflag:s30] =	ssyncset.done $0x0  }
0x8e: {  	[sflag:s30] =	ssyncadd.s32 $0xFFFFC000  }
0x8f: {  	[hbm4b:s10+s3] =	stream.linear.scatter [tilespmem:s23], [sflag:$0x9], $0x4000, $0x38;
	[tilespmem:$0x1E400] =	vst v63  }
0x90: {  	_ =	swait.ge [sflag:s31], $0x4000  }
0x91: {  	[sflag:s31] =	ssyncset.done $0x0  }
0x92: {  	[sflag:s31] =	ssyncadd.s32 $0xFFFFC000  }
0x93: {  	_ =	swait.ge [sflag:s0], $0x4000  }
0x94: {  	[sflag:s0] =	ssyncset.done $0x0  }
0x95: {  	[sflag:s0] =	ssyncadd.s32 $0xFFFFC000  }
0x96: {  	[hbm4b:s11+s3] =	stream.linear.scatter [tilespmem:s26], [sflag:$0xA], $0x4000, $0x38;
	[tilespmem:$0x1E400] =	vst v63  }
0x97: {  	_ =	swait.ge [sflag:s2], $0x4000  }
0x98: {  	[sflag:s2] =	ssyncset.done $0x0  }
0x99: {  	s25 =	sadd.s32 $0x1, s25;
	[sflag:s2] =	ssyncadd.s32 $0xFFFFC000  }
0x9a: {  	p0 =	sne.s32 s25, s12;
	_ =	swait.ge [sflag:s19], $0x4000  }
.Ltmp1:
0x9b: {  	[sflag:s19] =	ssyncset.done $0x0;
	(pc) =	sbr.rel @p0 .LBB2_1-.Ltmp1, $4  }
0x9c: {  	[sflag:s19] =	ssyncadd.s32 $0xFFFFC000  }
0x9d: {  	_ =	swait.ge [sflag:s22], $0x4000  }
0x9e: {  	[sflag:s22] =	ssyncset.done $0x0  }
0x9f: {  	[sflag:s22] =	ssyncadd.s32 $0xFFFFC000  }
0xa0: {  	_ =	sfence.sel $0x180000  }
0xa1: {  	[bflag:$0x0] =	sbarrier.arrive $0xFFFF  }
0xa2: {  	_ =	strace $0x90000047  }
0xa3: {  	s0 =	stileid.u32;
	[bflag:$0x2] =	sbarrier.arrive $0xFFFF  }
0xa4: {  	p0 =	sne.s32 s0, $0x0;
	s0 =	rddreg [dreg:$0x4]  }
0xa5: {  	s0 =	sadd.s32 @!p0 $0x100000, s0  }
0xa6: {  	[sflag:s0] =	ssyncadd.tile.s32 @!p0 $0x1;
	_ =	shalt  }
.Lfunc_end2:
_tile_overlayer_lowered:
.L_overlay_start_2:
0xa7: {  	(tag) =	ssettag $0x2  }
0xa8: {  	s0 =	rddreg [dreg:$0x0];
	s2 =	stileid.u32  }
0xa9: {  	s1 =	rddreg [dreg:$0x1];
	p0 =	sne.s32 s2, $0x0  }
0xaa: {  	s3 =	rddreg [dreg:$0x2];
	[bflag:$0x3] =	sbarrier.arrive $0xFFFF;
	s2 =	simm.s32 @!p0 $0x1C0B  }
0xab: {  	[timem:s3], [sflag:s2] =	dma.local @!p0 [hbm:s0], s1  }
0xac: {  	s0 =	simm.s32 @!p0 $0xB  }
0xad: {  	_ =	swait.ge @!p0 [sflag:s0], s1  }
0xae: {  	s1 =	ssub.s32 @!p0 $0x0, s1;
	[sflag:s0] =	ssyncset.done @!p0 $0x0  }
0xaf: {  	[sflag:s0] =	ssyncadd.s32 @!p0 s1  }
0xb0: {  	[bflag:$0x3] =	sbarrier.arrive $0xFFFF  }
0xb1: {  	_ =	shalt  }

</sc_bundles>
